<compile_context>
chip_gen: v7x
topology: tpu7x:2x2x1
jax: 0.10.2.dev20260603
libtpu: 0.0.44.dev20260713+nightly
codegen_flags: <defaults>
</compile_context>

<pallas_src>
import jax
import jax.numpy as jnp
from jax import lax
from jax.experimental import pallas as pl
from jax.experimental.pallas import tpu as pltpu
from jax.experimental.pallas import tpu_sc as plsc

_ROWS = 256
_COLS = 256
_NEDGE = 64
_NSAM = 64
_NC = 2
_NS = 16
_NW = _NC * _NS
_RG = 16
_TROWS = 64
_NTASK = _NSAM * (_ROWS // _TROWS)
_TPW = _NTASK // _NW
_PW = _COLS // 4


def _raster_sc(pts_hbm, zeros_hbm, hist_hbm, pts_v, hist_v, sems):
    wid = lax.axis_index("s") * _NC + lax.axis_index("c")
    lane = lax.broadcasted_iota(jnp.int32, (_RG,), 0)
    lane_f = lane.astype(jnp.float32)
    one = jnp.int32(1)
    n_rg = _TROWS // _RG

    def task(t, b, sem):
        g = wid * _TPW + t
        sample = g // (_ROWS // _TROWS)
        rg = g - sample * (_ROWS // _TROWS)

        @pl.when(t >= 2)
        def _drain():
            pltpu.make_async_copy(
                hist_v.at[b, :, pl.ds(0, _PW)],
                hist_hbm.at[sample, pl.ds(rg * _TROWS, _TROWS)],
                sem).wait()

        @pl.when(rg == 0)
        def _load_pts():
            pltpu.sync_copy(pts_hbm.at[sample], pts_v)

        pltpu.sync_copy(zeros_hbm, hist_v.at[b])

        ys0 = (rg * _TROWS).astype(jnp.float32)
        yss = [lane_f + (ys0 + float(r * _RG)) for r in range(n_rg)]
        rows = [lane + r * _RG for r in range(n_rg)]
        step = jnp.full((_RG,), float(_RG), jnp.float32)

        @plsc.parallel_loop(0, _NEDGE, step=1, unroll=4)
        def _edges(e):
            off = e * _RG
            px = jnp.clip(pts_v[pl.ds(off, _RG)] * 255.0, 0.0, 255.0)
            py = jnp.clip(pts_v[pl.ds(_NEDGE * _RG + off, _RG)] * 255.0,
                          0.0, 255.0)
            pjx = jnp.clip(pts_v[pl.ds(2 * _NEDGE * _RG + off, _RG)] * 255.0,
                           0.0, 255.0)
            pjy = jnp.clip(pts_v[pl.ds(3 * _NEDGE * _RG + off, _RG)] * 255.0,
                           0.0, 255.0)
            dy = pjy - py
            denom = jnp.where(dy == 0.0, 1.0, dy)
            dx = pjx - px
            q = (yss[0] - py) / denom
            q_inc = step / denom
            for r in range(n_rg):
                ys = yss[r]
                cond = (py < ys) != (pjy < ys)
                xc = px + q * dx
                bins = jnp.clip(xc, 0.0, 255.0).astype(jnp.int32)
                words = jax.lax.shift_right_logical(bins, 2)
                val = jax.lax.shift_left(one,
                                         jax.lax.shift_left(bins & 3, 3))
                plsc.addupdate_scatter(hist_v.at[b], [rows[r], words], val,
                                       mask=cond)
                if r + 1 < n_rg:
                    q = q + q_inc

        pltpu.async_copy(
            hist_v.at[b, :, pl.ds(0, _PW)],
            hist_hbm.at[sample, pl.ds(rg * _TROWS, _TROWS)], sem)

    def pair(i, carry):
        task(i * 2, 0, sems.at[0])
        task(i * 2 + 1, 1, sems.at[1])
        return carry

    lax.fori_loop(0, _TPW // 2, pair, 0)

    for b in range(2):
        pltpu.make_async_copy(hist_v.at[b, :, pl.ds(0, _PW)],
                              hist_hbm.at[0, pl.ds(0, _TROWS)],
                              sems.at[b]).wait()


def _dice_tc(hist_ref, dmap_ref, out_ref):
    s = pl.program_id(0)

    jj = jax.lax.broadcasted_iota(jnp.int32, (_COLS, _COLS), 0)
    xx = jax.lax.broadcasted_iota(jnp.int32, (_COLS, _COLS), 1)
    bin_of = 4 * (jj % _PW) + jj // _PW
    l_incl = (bin_of <= xx).astype(jnp.float32)
    l_strict = (bin_of < xx).astype(jnp.float32)

    hp = hist_ref[0]
    parts = [((hp >> (8 * s)) & 255).astype(jnp.float32) for s in range(4)]
    hist = jnp.concatenate(parts, axis=1)
    a = jax.lax.dot(hist, l_incl, preferred_element_type=jnp.float32)
    b = jax.lax.dot(hist, l_strict, preferred_element_type=jnp.float32)
    r_tot = a[:, _COLS - 1:_COLS]
    m_lim = r_tot - 1.0 - (r_tot - 2.0 * jnp.floor(r_tot * 0.5))
    b_odd = b - 2.0 * jnp.floor(b * 0.5)
    u = jnp.minimum(a, m_lim)
    filled = ((u > b).astype(jnp.float32)
              + (u == b).astype(jnp.float32) * b_odd)

    binary = (dmap_ref[0] * 255.0 <= 127.0).astype(jnp.float32)
    inter = jnp.sum(filled * binary)
    s_true = jnp.sum(filled)
    s_pred = jnp.sum(binary)

    smooth = 1e-06
    loss = 1.0 - (2.0 * inter + smooth) / (s_true + s_pred + smooth)

    @pl.when(s == 0)
    def _init():
        out_ref[...] = jnp.zeros_like(out_ref)

    out_ref[...] += loss * (1.0 / _NSAM)


@jax.jit
def _run(pts_sc, dmap):
    zeros = jnp.zeros((_TROWS, _PW + 1), jnp.int32)
    raster = pl.kernel(
        _raster_sc,
        out_type=jax.ShapeDtypeStruct((_NSAM, _ROWS, _PW), jnp.int32),
        mesh=plsc.VectorSubcoreMesh(core_axis_name="c", subcore_axis_name="s",
                                    num_cores=_NC, num_subcores=_NS),
        scratch_types=[
            pltpu.VMEM((4 * _NEDGE * _RG,), jnp.float32),
            pltpu.VMEM((2, _TROWS, _PW + 1), jnp.int32),
            pltpu.SemaphoreType.DMA((2,)),
        ],
        compiler_params=pltpu.CompilerParams(use_tc_tiling_on_sc=False,
                                             needs_layout_passes=False),
    )
    hist = raster(pts_sc, zeros)

    out = pl.pallas_call(
        _dice_tc,
        grid=(_NSAM,),
        in_specs=[
            pl.BlockSpec((1, _ROWS, _PW), lambda s: (s, 0, 0)),
            pl.BlockSpec((1, _ROWS, _COLS), lambda s: (s, 0, 0)),
        ],
        out_specs=pl.BlockSpec((8, 128), lambda s: (0, 0)),
        out_shape=jax.ShapeDtypeStruct((8, 128), jnp.float32),
        compiler_params=pltpu.CompilerParams(
            dimension_semantics=("arbitrary",),
        ),
    )(hist, dmap)
    return out[0, 0]


def kernel(points, distance_map):
    pts = points[:, :, 0, :]
    px = pts[:, :, 0]
    py = pts[:, :, 1]
    pjx = jnp.roll(px, 1, axis=1)
    pjy = jnp.roll(py, 1, axis=1)
    pts_sc = jnp.concatenate([px, py, pjx, pjy], axis=1)
    pts_sc = jnp.repeat(pts_sc[:, :, None], _RG, axis=2).reshape(_NSAM, -1)
    dmap = distance_map[:, :, :, 0]
    return _run(pts_sc, dmap)

# --- scband reference (transcript-rebuilt; emitter-appended) ---
"""Pipeline reference for scband-dice-loss-layer-24163486008133 (READ-ONLY COPY).

The authoritative reference and input builder live on the scoring server;
editing this copy changes nothing except your own understanding.
"""

import jax, jax.numpy as jnp
import numpy as np


def fill_polygon(points_bspline):
    # points_bspline: [N, 1, 2]
    points = jnp.clip(points_bspline * 255.0, 0.0, 255.0)
    points = jnp.squeeze(points, axis=1)  # [N, 2]
    px = points[:, 0]
    py = points[:, 1]
    # edge partner j = i-1 (wrap: i=0 -> last), same as tf loop with j=-1 for i=0
    pjx = jnp.roll(px, 1)
    pjy = jnp.roll(py, 1)
    ys = jnp.arange(256, dtype=jnp.float32)[:, None]  # [256, 1]
    # crossing condition per (row y, edge i)
    cond = ((py[None, :] < ys) & (pjy[None, :] >= ys)) | ((pjy[None, :] < ys) & (py[None, :] >= ys))
    denom = jnp.where((pjy - py) == 0.0, 1.0, pjy - py)
    xc = px[None, :] + (ys - py[None, :]) / denom[None, :] * (pjx - px)[None, :]
    BIG = 1.0e9
    nodes = jnp.where(cond, xc, BIG)  # invalid crossings pushed to the end after sort
    nodes = jnp.sort(nodes, axis=1)  # [256, N]
    n = points.shape[0]
    npairs = n // 2
    starts = nodes[:, 0:2 * npairs:2]  # [256, npairs]
    ends = nodes[:, 1:2 * npairs:2]
    # a pair is filled only if its end is a real crossing (odd leftover crossing is
    # skipped, matching the `if i >= size-1: break` in the tf code)
    valid = ends < (BIG * 0.5)
    xs_i = jnp.clip(starts, 0.0, 255.0).astype(jnp.int32)
    xe_i = jnp.clip(ends, 0.0, 255.0).astype(jnp.int32)
    cols = jnp.arange(256, dtype=jnp.int32)[None, None, :]  # [1, 1, 256]
    # scatter ones over [x_start, x_end] inclusive, per row
    span = valid[:, :, None] & (cols >= xs_i[:, :, None]) & (cols <= xe_i[:, :, None])
    mask = jnp.any(span, axis=1)  # [256, 256]
    return mask.astype(jnp.float32)


def dice_coeff(y_true, y_pred):
    smooth = 1e-06
    y_true_f = jnp.reshape(y_true, (-1,)).astype(jnp.float32)
    y_pred_f = jnp.reshape(y_pred, (-1,)).astype(jnp.float32)
    intersection = jnp.sum(y_true_f * y_pred_f)
    return (2.0 * intersection + smooth) / (jnp.sum(y_true_f) + jnp.sum(y_pred_f) + smooth)


def setup_inputs(seed: int = 0) -> dict:
    key = jax.random.key(seed)
    k1, k2 = jax.random.split(key)
    points = jax.random.uniform(k1, (64, 64, 1, 2), dtype=jnp.float32)
    distance_map = jax.random.uniform(k2, (64, 256, 256, 1), dtype=jnp.float32)
    return {"points": points, "distance_map": distance_map}


def reference(points, distance_map):
    # y_pred = [points, distance_map] in the original keras call
    def per_sample(pts, dmap):
        bspline_mask = fill_polygon(pts)  # [256, 256] float
        binary_mask = (dmap * 255.0 <= 127.0).astype(jnp.float32)[..., 0]  # [256, 256]
        return 1.0 - dice_coeff(bspline_mask, binary_mask)
    losses = jax.vmap(per_sample)(points, distance_map)
    return jnp.mean(losses)

if __name__ == "__main__":
    import jax
    _d = setup_inputs()
    print(jax.jit(kernel)(*tuple(_d.values())))

</pallas_src>

<mosaic_0001>
#map = affine_map<(d0, d1) -> (0, 0)>
#map1 = affine_map<(d0, d1) -> (0, 0, 0)>
module attributes {stable_mosaic.version = 14 : i64} {
  func.func @_raster_sc(%arg0: i32, %arg1: i32, %arg2: memref<64x4096xf32, #tpu.memory_space<hbm>>, %arg3: memref<64x65xi32, #tpu.memory_space<hbm>>, %arg4: memref<64x256x64xi32, #tpu.memory_space<hbm>>, %arg5: memref<4096xf32, #tpu.memory_space<vmem>>, %arg6: memref<2x64x65xi32, #tpu.memory_space<vmem>>, %arg7: memref<2x!tpu.dma_semaphore, #tpu.memory_space<semaphore_mem>>) attributes {dimension_semantics = [#tpu.dimension_semantics<core_parallel>, #tpu.dimension_semantics<subcore_parallel>], iteration_bounds = array<i64: 2, 16>, scalar_prefetch = 0 : i64, scratch_operands = 3 : i64, tpu.core_type = #tpu.core_type<sc_vector_subcore>, window_params = [{transform_indices = #map}, {transform_indices = #map}, {transform_indices = #map1}]} {
    %mul3A = arith.constant 2 : i32
    %mul3A_0 = arith.muli %arg1, %mul3A : i32
    %add3A = arith.addi %mul3A_0, %arg0 : i32
    %iota3A = tpu.iota {dimensions = array<i32: 0>} : vector<16xi32>
    %convert_element_type3A = arith.sitofp %iota3A : vector<16xi32> to vector<16xf32>
    %scan3A = arith.constant 0 : i32
    %scan3A_1 = arith.constant 1 : i32
    %scan3A_2 = arith.constant 0 : i32
    %scan3A_3 = arith.constant 4 : i32
    %scan3A_4 = arith.addi %scan3A_2, %scan3A_3 : i32
    %scan3A_5 = arith.constant 1 : i32
    scf.for %scan3A_48 = %scan3A_2 to %scan3A_4 step %scan3A_5  : i32 {
      %mul3A_49 = arith.constant 2 : i32
      %mul3A_50 = arith.muli %scan3A_48, %mul3A_49 : i32
      %mul3A_51 = arith.constant 8 : i32
      %mul3A_52 = arith.muli %add3A, %mul3A_51 : i32
      %add3A_53 = arith.addi %mul3A_52, %mul3A_50 : i32
      %jit3A = arith.constant 4 : i32
      %div3A = arith.divsi %add3A_53, %jit3A : i32
      %sign3A = arith.constant 0 : i32
      %sign3A_54 = arith.cmpi sgt, %add3A_53, %sign3A : i32
      %sign3A_55 = arith.extui %sign3A_54 : i1 to i32
      %sign3A_56 = arith.constant 0 : i32
      %sign3A_57 = arith.cmpi slt, %add3A_53, %sign3A_56 : i32
      %sign3A_58 = arith.extui %sign3A_57 : i1 to i32
      %sign3A_59 = arith.subi %sign3A_55, %sign3A_58 : i32
      %sign3A_60 = arith.constant 0 : i32
      %sign3A_61 = arith.cmpi sgt, %jit3A, %sign3A_60 : i32
      %sign3A_62 = arith.extui %sign3A_61 : i1 to i32
      %sign3A_63 = arith.constant 0 : i32
      %sign3A_64 = arith.cmpi slt, %jit3A, %sign3A_63 : i32
      %sign3A_65 = arith.extui %sign3A_64 : i1 to i32
      %sign3A_66 = arith.subi %sign3A_62, %sign3A_65 : i32
      %ne3A = arith.cmpi ne, %sign3A_59, %sign3A_66 : i32
      %rem3A = arith.remsi %add3A_53, %jit3A : i32
      %ne3A_67 = arith.constant 0 : i32
      %ne3A_68 = arith.cmpi ne, %rem3A, %ne3A_67 : i32
      %and3A = arith.andi %ne3A, %ne3A_68 : i1
      %sub3A = arith.constant 1 : i32
      %sub3A_69 = arith.subi %div3A, %sub3A : i32
      %select_n3A = arith.select %and3A, %sub3A_69, %div3A : i32
      %mul3A_70 = arith.constant 4 : i32
      %mul3A_71 = arith.muli %select_n3A, %mul3A_70 : i32
      %sub3A_72 = arith.subi %add3A_53, %mul3A_71 : i32
      %ge3A = arith.constant 2 : i32
      %ge3A_73 = arith.cmpi sge, %mul3A_50, %ge3A : i32
      %convert_element_type3A_74 = arith.extui %ge3A_73 : i1 to i32
      %cond3A = arith.constant 0 : i32
      %cond3A_75 = arith.constant 0 : i32
      %cond3A_76 = arith.cmpi ne, %convert_element_type3A_74, %cond3A_75 : i32
      scf.if %cond3A_76 {
        %mul3A_236 = arith.constant 64 : i32
        %mul3A_237 = arith.muli %sub3A_72, %mul3A_236 : i32
        %dma_wait3A_238 = arith.constant 0 : i32
        %dma_wait3A_239 = arith.constant 0 : i32
        %dma_wait3A_240 = arith.constant 0 : i32
        %dma_wait3A_241 = tpu.memref_slice %arg6[%dma_wait3A_238, %dma_wait3A_239, %dma_wait3A_240] : memref<2x64x65xi32, #tpu.memory_space<vmem>> -> memref<1x64x64xi32, #tpu.memory_space<vmem>>
        %dma_wait3A_242 = tpu.memref_squeeze %dma_wait3A_241 : memref<1x64x64xi32, #tpu.memory_space<vmem>> -> memref<64x64xi32, #tpu.memory_space<vmem>>
        %dma_wait3A_243 = arith.constant 0 : i32
        %dma_wait3A_244 = tpu.memref_slice %arg4[%select_n3A, %mul3A_237, %dma_wait3A_243] : memref<64x256x64xi32, #tpu.memory_space<hbm>> -> memref<1x64x64xi32, #tpu.memory_space<hbm>>
        %dma_wait3A_245 = tpu.memref_squeeze %dma_wait3A_244 : memref<1x64x64xi32, #tpu.memory_space<hbm>> -> memref<64x64xi32, #tpu.memory_space<hbm>>
        %dma_wait3A_246 = tpu.memref_slice %arg7[%cond3A] : memref<2x!tpu.dma_semaphore, #tpu.memory_space<semaphore_mem>> -> memref<1x!tpu.dma_semaphore, #tpu.memory_space<semaphore_mem>>
        %dma_wait3A_247 = tpu.memref_squeeze %dma_wait3A_246 : memref<1x!tpu.dma_semaphore, #tpu.memory_space<semaphore_mem>> -> memref<!tpu.dma_semaphore, #tpu.memory_space<semaphore_mem>>
        %dma_wait3A_248 = arith.constant 0 : i32
        %dma_wait3A_249 = tpu.memref_slice %arg4[%select_n3A, %mul3A_237, %dma_wait3A_248] : memref<64x256x64xi32, #tpu.memory_space<hbm>> -> memref<1x64x64xi32, #tpu.memory_space<hbm>>
        %dma_wait3A_250 = tpu.memref_squeeze %dma_wait3A_249 : memref<1x64x64xi32, #tpu.memory_space<hbm>> -> memref<64x64xi32, #tpu.memory_space<hbm>>
        %dma_wait3A_251 = arith.constant 0 : i32
        %dma_wait3A_252 = arith.constant 0 : i32
        %dma_wait3A_253 = tpu.memref_slice %arg6[%dma_wait3A_238, %dma_wait3A_251, %dma_wait3A_252] : memref<2x64x65xi32, #tpu.memory_space<vmem>> -> memref<1x64x64xi32, #tpu.memory_space<vmem>>
        %dma_wait3A_254 = tpu.memref_squeeze %dma_wait3A_253 : memref<1x64x64xi32, #tpu.memory_space<vmem>> -> memref<64x64xi32, #tpu.memory_space<vmem>>
        tpu.wait_dma2 semaphore(%dma_wait3A_247 : memref<!tpu.dma_semaphore, #tpu.memory_space<semaphore_mem>>) src(%dma_wait3A_254 : memref<64x64xi32, #tpu.memory_space<vmem>>) dst(%dma_wait3A_250 : memref<64x64xi32, #tpu.memory_space<hbm>>)
      } else {
      }
      %eq3A = arith.constant 0 : i32
      %eq3A_77 = arith.cmpi eq, %sub3A_72, %eq3A : i32
      %convert_element_type3A_78 = arith.extui %eq3A_77 : i1 to i32
      %cond3A_79 = arith.constant 0 : i32
      %cond3A_80 = arith.cmpi ne, %convert_element_type3A_78, %cond3A_79 : i32
      scf.if %cond3A_80 {
        "tpu.region"() ({
          %run_scoped3A_236 = tpu.sem_alloc : memref<!tpu.dma_semaphore, #tpu.memory_space<semaphore_mem>>
          %dma_start3A_237 = arith.constant 0 : i32
          %dma_start3A_238 = tpu.memref_slice %arg2[%select_n3A, %dma_start3A_237] : memref<64x4096xf32, #tpu.memory_space<hbm>> -> memref<1x4096xf32, #tpu.memory_space<hbm>>
          %dma_start3A_239 = tpu.memref_squeeze %dma_start3A_238 : memref<1x4096xf32, #tpu.memory_space<hbm>> -> memref<4096xf32, #tpu.memory_space<hbm>>
          %dma_start3A_240 = arith.constant 0 : i32
          %dma_start3A_241 = tpu.memref_slice %arg2[%select_n3A, %dma_start3A_240] : memref<64x4096xf32, #tpu.memory_space<hbm>> -> memref<1x4096xf32, #tpu.memory_space<hbm>>
          %dma_start3A_242 = tpu.memref_squeeze %dma_start3A_241 : memref<1x4096xf32, #tpu.memory_space<hbm>> -> memref<4096xf32, #tpu.memory_space<hbm>>
          tpu.enqueue_dma source(%dma_start3A_242 : memref<4096xf32, #tpu.memory_space<hbm>>) target(%arg5 : memref<4096xf32, #tpu.memory_space<vmem>>) target_semaphore(%run_scoped3A_236 : memref<!tpu.dma_semaphore, #tpu.memory_space<semaphore_mem>>)
          %dma_wait3A_243 = arith.constant 0 : i32
          %dma_wait3A_244 = tpu.memref_slice %arg2[%select_n3A, %dma_wait3A_243] : memref<64x4096xf32, #tpu.memory_space<hbm>> -> memref<1x4096xf32, #tpu.memory_space<hbm>>
          %dma_wait3A_245 = tpu.memref_squeeze %dma_wait3A_244 : memref<1x4096xf32, #tpu.memory_space<hbm>> -> memref<4096xf32, #tpu.memory_space<hbm>>
          %dma_wait3A_246 = arith.constant 0 : i32
          %dma_wait3A_247 = tpu.memref_slice %arg2[%select_n3A, %dma_wait3A_246] : memref<64x4096xf32, #tpu.memory_space<hbm>> -> memref<1x4096xf32, #tpu.memory_space<hbm>>
          %dma_wait3A_248 = tpu.memref_squeeze %dma_wait3A_247 : memref<1x4096xf32, #tpu.memory_space<hbm>> -> memref<4096xf32, #tpu.memory_space<hbm>>
          tpu.wait_dma2 semaphore(%run_scoped3A_236 : memref<!tpu.dma_semaphore, #tpu.memory_space<semaphore_mem>>) src(%dma_wait3A_248 : memref<4096xf32, #tpu.memory_space<hbm>>) dst(%arg5 : memref<4096xf32, #tpu.memory_space<vmem>>)
          tpu.yield
        }) : () -> ()
      } else {
      }
      %run_scoped3A = arith.constant 0 : i32
      "tpu.region"() ({
        %run_scoped3A_236 = tpu.sem_alloc : memref<!tpu.dma_semaphore, #tpu.memory_space<semaphore_mem>>
        %dma_start3A_237 = arith.constant 0 : i32
        %dma_start3A_238 = arith.constant 0 : i32
        %dma_start3A_239 = tpu.memref_slice %arg6[%run_scoped3A, %dma_start3A_237, %dma_start3A_238] : memref<2x64x65xi32, #tpu.memory_space<vmem>> -> memref<1x64x65xi32, #tpu.memory_space<vmem>>
        %dma_start3A_240 = tpu.memref_squeeze %dma_start3A_239 : memref<1x64x65xi32, #tpu.memory_space<vmem>> -> memref<64x65xi32, #tpu.memory_space<vmem>>
        %dma_start3A_241 = arith.constant 0 : i32
        %dma_start3A_242 = arith.constant 0 : i32
        %dma_start3A_243 = tpu.memref_slice %arg6[%run_scoped3A, %dma_start3A_241, %dma_start3A_242] : memref<2x64x65xi32, #tpu.memory_space<vmem>> -> memref<1x64x65xi32, #tpu.memory_space<vmem>>
        %dma_start3A_244 = tpu.memref_squeeze %dma_start3A_243 : memref<1x64x65xi32, #tpu.memory_space<vmem>> -> memref<64x65xi32, #tpu.memory_space<vmem>>
        tpu.enqueue_dma source(%arg3 : memref<64x65xi32, #tpu.memory_space<hbm>>) target(%dma_start3A_244 : memref<64x65xi32, #tpu.memory_space<vmem>>) target_semaphore(%run_scoped3A_236 : memref<!tpu.dma_semaphore, #tpu.memory_space<semaphore_mem>>)
        %dma_wait3A_245 = arith.constant 0 : i32
        %dma_wait3A_246 = arith.constant 0 : i32
        %dma_wait3A_247 = tpu.memref_slice %arg6[%run_scoped3A, %dma_wait3A_245, %dma_wait3A_246] : memref<2x64x65xi32, #tpu.memory_space<vmem>> -> memref<1x64x65xi32, #tpu.memory_space<vmem>>
        %dma_wait3A_248 = tpu.memref_squeeze %dma_wait3A_247 : memref<1x64x65xi32, #tpu.memory_space<vmem>> -> memref<64x65xi32, #tpu.memory_space<vmem>>
        %dma_wait3A_249 = arith.constant 0 : i32
        %dma_wait3A_250 = arith.constant 0 : i32
        %dma_wait3A_251 = tpu.memref_slice %arg6[%run_scoped3A, %dma_wait3A_249, %dma_wait3A_250] : memref<2x64x65xi32, #tpu.memory_space<vmem>> -> memref<1x64x65xi32, #tpu.memory_space<vmem>>
        %dma_wait3A_252 = tpu.memref_squeeze %dma_wait3A_251 : memref<1x64x65xi32, #tpu.memory_space<vmem>> -> memref<64x65xi32, #tpu.memory_space<vmem>>
        tpu.wait_dma2 semaphore(%run_scoped3A_236 : memref<!tpu.dma_semaphore, #tpu.memory_space<semaphore_mem>>) src(%arg3 : memref<64x65xi32, #tpu.memory_space<hbm>>) dst(%dma_wait3A_252 : memref<64x65xi32, #tpu.memory_space<vmem>>)
        tpu.yield
      }) : () -> ()
      %mul3A_81 = arith.constant 64 : i32
      %mul3A_82 = arith.muli %sub3A_72, %mul3A_81 : i32
      %convert_element_type3A_83 = arith.sitofp %mul3A_82 : i32 to f32
      %add3A_84 = arith.constant 0.000000e+00 : f32
      %add3A_85 = arith.addf %convert_element_type3A_83, %add3A_84 : f32
      %add3A_86 = vector.broadcast %add3A_85 : f32 to vector<16xf32>
      %add3A_87 = arith.addf %convert_element_type3A, %add3A_86 : vector<16xf32>
      %add3A_88 = arith.constant 1.600000e+01 : f32
      %add3A_89 = arith.addf %convert_element_type3A_83, %add3A_88 : f32
      %add3A_90 = vector.broadcast %add3A_89 : f32 to vector<16xf32>
      %add3A_91 = arith.addf %convert_element_type3A, %add3A_90 : vector<16xf32>
      %add3A_92 = arith.constant 3.200000e+01 : f32
      %add3A_93 = arith.addf %convert_element_type3A_83, %add3A_92 : f32
      %add3A_94 = vector.broadcast %add3A_93 : f32 to vector<16xf32>
      %add3A_95 = arith.addf %convert_element_type3A, %add3A_94 : vector<16xf32>
      %add3A_96 = arith.constant 4.800000e+01 : f32
      %add3A_97 = arith.addf %convert_element_type3A_83, %add3A_96 : f32
      %add3A_98 = vector.broadcast %add3A_97 : f32 to vector<16xf32>
      %add3A_99 = arith.addf %convert_element_type3A, %add3A_98 : vector<16xf32>
      %add3A_100 = arith.constant 0 : i32
      %add3A_101 = vector.broadcast %add3A_100 : i32 to vector<16xi32>
      %add3A_102 = arith.addi %iota3A, %add3A_101 : vector<16xi32>
      %add3A_103 = arith.constant 16 : i32
      %add3A_104 = vector.broadcast %add3A_103 : i32 to vector<16xi32>
      %add3A_105 = arith.addi %iota3A, %add3A_104 : vector<16xi32>
      %add3A_106 = arith.constant 32 : i32
      %add3A_107 = vector.broadcast %add3A_106 : i32 to vector<16xi32>
      %add3A_108 = arith.addi %iota3A, %add3A_107 : vector<16xi32>
      %add3A_109 = arith.constant 48 : i32
      %add3A_110 = vector.broadcast %add3A_109 : i32 to vector<16xi32>
      %add3A_111 = arith.addi %iota3A, %add3A_110 : vector<16xi32>
      %broadcast_in_dim3A = arith.constant 1.600000e+01 : f32
      %broadcast_in_dim3A_112 = vector.broadcast %broadcast_in_dim3A : f32 to vector<16xf32>
      %parallel_loop3A = arith.constant 0 : i32
      %parallel_loop3A_113 = arith.constant 64 : i32
      %parallel_loop3A_114 = arith.constant 1 : i32
      scf.for %parallel_loop3A_236 = %parallel_loop3A to %parallel_loop3A_113 step %parallel_loop3A_114  : i32 {
        %parallel_loop3A_237 = arith.constant 16 : i32
        %parallel_loop3A_238 = arith.muli %parallel_loop3A_236, %parallel_loop3A_237 : i32
        %parallel_loop3A_239 = arith.index_cast %parallel_loop3A_238 : i32 to index
        %parallel_loop3A_240 = tpu.vector_load %arg5[%parallel_loop3A_239] {strides = array<i32>} : memref<4096xf32, #tpu.memory_space<vmem>>, vector<16xf32>,
        %parallel_loop3A_241 = arith.constant 2.550000e+02 : f32
        %parallel_loop3A_242 = vector.broadcast %parallel_loop3A_241 : f32 to vector<16xf32>
        %parallel_loop3A_243 = arith.mulf %parallel_loop3A_240, %parallel_loop3A_242 : vector<16xf32>
        %parallel_loop3A_244 = arith.constant 0.000000e+00 : f32
        %parallel_loop3A_245 = arith.constant 2.550000e+02 : f32
        %parallel_loop3A_246 = vector.broadcast %parallel_loop3A_244 : f32 to vector<16xf32>
        %parallel_loop3A_247 = arith.maximumf %parallel_loop3A_246, %parallel_loop3A_243 : vector<16xf32>
        %parallel_loop3A_248 = vector.broadcast %parallel_loop3A_245 : f32 to vector<16xf32>
        %parallel_loop3A_249 = arith.minimumf %parallel_loop3A_248, %parallel_loop3A_247 : vector<16xf32>
        %parallel_loop3A_250 = arith.constant 1024 : i32
        %parallel_loop3A_251 = arith.addi %parallel_loop3A_250, %parallel_loop3A_238 : i32
        %parallel_loop3A_252 = arith.index_cast %parallel_loop3A_251 : i32 to index
        %parallel_loop3A_253 = tpu.vector_load %arg5[%parallel_loop3A_252] {strides = array<i32>} : memref<4096xf32, #tpu.memory_space<vmem>>, vector<16xf32>,
        %parallel_loop3A_254 = arith.constant 2.550000e+02 : f32
        %parallel_loop3A_255 = vector.broadcast %parallel_loop3A_254 : f32 to vector<16xf32>
        %parallel_loop3A_256 = arith.mulf %parallel_loop3A_253, %parallel_loop3A_255 : vector<16xf32>
        %parallel_loop3A_257 = arith.constant 0.000000e+00 : f32
        %parallel_loop3A_258 = arith.constant 2.550000e+02 : f32
        %parallel_loop3A_259 = vector.broadcast %parallel_loop3A_257 : f32 to vector<16xf32>
        %parallel_loop3A_260 = arith.maximumf %parallel_loop3A_259, %parallel_loop3A_256 : vector<16xf32>
        %parallel_loop3A_261 = vector.broadcast %parallel_loop3A_258 : f32 to vector<16xf32>
        %parallel_loop3A_262 = arith.minimumf %parallel_loop3A_261, %parallel_loop3A_260 : vector<16xf32>
        %parallel_loop3A_263 = arith.constant 2048 : i32
        %parallel_loop3A_264 = arith.addi %parallel_loop3A_263, %parallel_loop3A_238 : i32
        %parallel_loop3A_265 = arith.index_cast %parallel_loop3A_264 : i32 to index
        %parallel_loop3A_266 = tpu.vector_load %arg5[%parallel_loop3A_265] {strides = array<i32>} : memref<4096xf32, #tpu.memory_space<vmem>>, vector<16xf32>,
        %parallel_loop3A_267 = arith.constant 2.550000e+02 : f32
        %parallel_loop3A_268 = vector.broadcast %parallel_loop3A_267 : f32 to vector<16xf32>
        %parallel_loop3A_269 = arith.mulf %parallel_loop3A_266, %parallel_loop3A_268 : vector<16xf32>
        %parallel_loop3A_270 = arith.constant 0.000000e+00 : f32
        %parallel_loop3A_271 = arith.constant 2.550000e+02 : f32
        %parallel_loop3A_272 = vector.broadcast %parallel_loop3A_270 : f32 to vector<16xf32>
        %parallel_loop3A_273 = arith.maximumf %parallel_loop3A_272, %parallel_loop3A_269 : vector<16xf32>
        %parallel_loop3A_274 = vector.broadcast %parallel_loop3A_271 : f32 to vector<16xf32>
        %parallel_loop3A_275 = arith.minimumf %parallel_loop3A_274, %parallel_loop3A_273 : vector<16xf32>
        %parallel_loop3A_276 = arith.constant 3072 : i32
        %parallel_loop3A_277 = arith.addi %parallel_loop3A_276, %parallel_loop3A_238 : i32
        %parallel_loop3A_278 = arith.index_cast %parallel_loop3A_277 : i32 to index
        %parallel_loop3A_279 = tpu.vector_load %arg5[%parallel_loop3A_278] {strides = array<i32>} : memref<4096xf32, #tpu.memory_space<vmem>>, vector<16xf32>,
        %parallel_loop3A_280 = arith.constant 2.550000e+02 : f32
        %parallel_loop3A_281 = vector.broadcast %parallel_loop3A_280 : f32 to vector<16xf32>
        %parallel_loop3A_282 = arith.mulf %parallel_loop3A_279, %parallel_loop3A_281 : vector<16xf32>
        %parallel_loop3A_283 = arith.constant 0.000000e+00 : f32
        %parallel_loop3A_284 = arith.constant 2.550000e+02 : f32
        %parallel_loop3A_285 = vector.broadcast %parallel_loop3A_283 : f32 to vector<16xf32>
        %parallel_loop3A_286 = arith.maximumf %parallel_loop3A_285, %parallel_loop3A_282 : vector<16xf32>
        %parallel_loop3A_287 = vector.broadcast %parallel_loop3A_284 : f32 to vector<16xf32>
        %parallel_loop3A_288 = arith.minimumf %parallel_loop3A_287, %parallel_loop3A_286 : vector<16xf32>
        %parallel_loop3A_289 = arith.subf %parallel_loop3A_288, %parallel_loop3A_262 : vector<16xf32>
        %parallel_loop3A_290 = arith.constant 0.000000e+00 : f32
        %parallel_loop3A_291 = vector.broadcast %parallel_loop3A_290 : f32 to vector<16xf32>
        %parallel_loop3A_292 = arith.cmpf oeq, %parallel_loop3A_289, %parallel_loop3A_291 : vector<16xf32>
        %parallel_loop3A_293 = arith.constant 1.000000e+00 : f32
        %parallel_loop3A_294 = vector.broadcast %parallel_loop3A_293 : f32 to vector<16xf32>
        %parallel_loop3A_295 = arith.select %parallel_loop3A_292, %parallel_loop3A_294, %parallel_loop3A_289 : vector<16xi1>, vector<16xf32>
        %parallel_loop3A_296 = arith.subf %parallel_loop3A_275, %parallel_loop3A_249 : vector<16xf32>
        %parallel_loop3A_297 = arith.subf %add3A_87, %parallel_loop3A_262 : vector<16xf32>
        %parallel_loop3A_298 = arith.divf %parallel_loop3A_297, %parallel_loop3A_295 : vector<16xf32>
        %parallel_loop3A_299 = arith.divf %broadcast_in_dim3A_112, %parallel_loop3A_295 : vector<16xf32>
        %parallel_loop3A_300 = arith.cmpf olt, %parallel_loop3A_262, %add3A_87 : vector<16xf32>
        %parallel_loop3A_301 = arith.cmpf olt, %parallel_loop3A_288, %add3A_87 : vector<16xf32>
        %parallel_loop3A_302 = arith.xori %parallel_loop3A_300, %parallel_loop3A_301 : vector<16xi1>
        %parallel_loop3A_303 = arith.mulf %parallel_loop3A_298, %parallel_loop3A_296 : vector<16xf32>
        %parallel_loop3A_304 = arith.addf %parallel_loop3A_249, %parallel_loop3A_303 : vector<16xf32>
        %parallel_loop3A_305 = arith.constant 0.000000e+00 : f32
        %parallel_loop3A_306 = arith.constant 2.550000e+02 : f32
        %parallel_loop3A_307 = vector.broadcast %parallel_loop3A_305 : f32 to vector<16xf32>
        %parallel_loop3A_308 = arith.maximumf %parallel_loop3A_307, %parallel_loop3A_304 : vector<16xf32>
        %parallel_loop3A_309 = vector.broadcast %parallel_loop3A_306 : f32 to vector<16xf32>
        %parallel_loop3A_310 = arith.minimumf %parallel_loop3A_309, %parallel_loop3A_308 : vector<16xf32>
        %parallel_loop3A_311 = arith.fptosi %parallel_loop3A_310 : vector<16xf32> to vector<16xi32>
        %parallel_loop3A_312 = arith.constant 2 : i32
        %parallel_loop3A_313 = vector.broadcast %parallel_loop3A_312 : i32 to vector<16xi32>
        %parallel_loop3A_314 = arith.shrui %parallel_loop3A_311, %parallel_loop3A_313 : vector<16xi32>
        %parallel_loop3A_315 = arith.constant 3 : i32
        %parallel_loop3A_316 = vector.broadcast %parallel_loop3A_315 : i32 to vector<16xi32>
        %parallel_loop3A_317 = arith.andi %parallel_loop3A_311, %parallel_loop3A_316 : vector<16xi32>
        %parallel_loop3A_318 = arith.constant 3 : i32
        %parallel_loop3A_319 = vector.broadcast %parallel_loop3A_318 : i32 to vector<16xi32>
        %parallel_loop3A_320 = arith.shli %parallel_loop3A_317, %parallel_loop3A_319 : vector<16xi32>
        %parallel_loop3A_321 = vector.broadcast %scan3A_1 : i32 to vector<16xi32>
        %parallel_loop3A_322 = arith.shli %parallel_loop3A_321, %parallel_loop3A_320 : vector<16xi32>
        %parallel_loop3A_323 = arith.constant 0 : i32
        %parallel_loop3A_324 = arith.constant 0 : i32
        %parallel_loop3A_325 = arith.constant 0 : i32
        %parallel_loop3A_326 = tpu.memref_slice %arg6[%parallel_loop3A_323, %parallel_loop3A_324, %parallel_loop3A_325] : memref<2x64x65xi32, #tpu.memory_space<vmem>> -> memref<1x64x65xi32, #tpu.memory_space<vmem>>
        %parallel_loop3A_327 = tpu.memref_squeeze %parallel_loop3A_326 : memref<1x64x65xi32, #tpu.memory_space<vmem>> -> memref<64x65xi32, #tpu.memory_space<vmem>>
        tpu.vector_store_idx %parallel_loop3A_327[%add3A_102, %parallel_loop3A_314], %parallel_loop3A_322 masked %parallel_loop3A_302 {add = true} : memref<64x65xi32, #tpu.memory_space<vmem>>[vector<16xi32>, vector<16xi32>], vector<16xi32>, vector<16xi1>
        %parallel_loop3A_328 = arith.addf %parallel_loop3A_298, %parallel_loop3A_299 : vector<16xf32>
        %parallel_loop3A_329 = arith.cmpf olt, %parallel_loop3A_262, %add3A_91 : vector<16xf32>
        %parallel_loop3A_330 = arith.cmpf olt, %parallel_loop3A_288, %add3A_91 : vector<16xf32>
        %parallel_loop3A_331 = arith.xori %parallel_loop3A_329, %parallel_loop3A_330 : vector<16xi1>
        %parallel_loop3A_332 = arith.mulf %parallel_loop3A_328, %parallel_loop3A_296 : vector<16xf32>
        %parallel_loop3A_333 = arith.addf %parallel_loop3A_249, %parallel_loop3A_332 : vector<16xf32>
        %parallel_loop3A_334 = arith.constant 0.000000e+00 : f32
        %parallel_loop3A_335 = arith.constant 2.550000e+02 : f32
        %parallel_loop3A_336 = vector.broadcast %parallel_loop3A_334 : f32 to vector<16xf32>
        %parallel_loop3A_337 = arith.maximumf %parallel_loop3A_336, %parallel_loop3A_333 : vector<16xf32>
        %parallel_loop3A_338 = vector.broadcast %parallel_loop3A_335 : f32 to vector<16xf32>
        %parallel_loop3A_339 = arith.minimumf %parallel_loop3A_338, %parallel_loop3A_337 : vector<16xf32>
        %parallel_loop3A_340 = arith.fptosi %parallel_loop3A_339 : vector<16xf32> to vector<16xi32>
        %parallel_loop3A_341 = arith.constant 2 : i32
        %parallel_loop3A_342 = vector.broadcast %parallel_loop3A_341 : i32 to vector<16xi32>
        %parallel_loop3A_343 = arith.shrui %parallel_loop3A_340, %parallel_loop3A_342 : vector<16xi32>
        %parallel_loop3A_344 = arith.constant 3 : i32
        %parallel_loop3A_345 = vector.broadcast %parallel_loop3A_344 : i32 to vector<16xi32>
        %parallel_loop3A_346 = arith.andi %parallel_loop3A_340, %parallel_loop3A_345 : vector<16xi32>
        %parallel_loop3A_347 = arith.constant 3 : i32
        %parallel_loop3A_348 = vector.broadcast %parallel_loop3A_347 : i32 to vector<16xi32>
        %parallel_loop3A_349 = arith.shli %parallel_loop3A_346, %parallel_loop3A_348 : vector<16xi32>
        %parallel_loop3A_350 = vector.broadcast %scan3A_1 : i32 to vector<16xi32>
        %parallel_loop3A_351 = arith.shli %parallel_loop3A_350, %parallel_loop3A_349 : vector<16xi32>
        %parallel_loop3A_352 = arith.constant 0 : i32
        %parallel_loop3A_353 = arith.constant 0 : i32
        %parallel_loop3A_354 = arith.constant 0 : i32
        %parallel_loop3A_355 = tpu.memref_slice %arg6[%parallel_loop3A_352, %parallel_loop3A_353, %parallel_loop3A_354] : memref<2x64x65xi32, #tpu.memory_space<vmem>> -> memref<1x64x65xi32, #tpu.memory_space<vmem>>
        %parallel_loop3A_356 = tpu.memref_squeeze %parallel_loop3A_355 : memref<1x64x65xi32, #tpu.memory_space<vmem>> -> memref<64x65xi32, #tpu.memory_space<vmem>>
        tpu.vector_store_idx %parallel_loop3A_356[%add3A_105, %parallel_loop3A_343], %parallel_loop3A_351 masked %parallel_loop3A_331 {add = true} : memref<64x65xi32, #tpu.memory_space<vmem>>[vector<16xi32>, vector<16xi32>], vector<16xi32>, vector<16xi1>
        %parallel_loop3A_357 = arith.addf %parallel_loop3A_328, %parallel_loop3A_299 : vector<16xf32>
        %parallel_loop3A_358 = arith.cmpf olt, %parallel_loop3A_262, %add3A_95 : vector<16xf32>
        %parallel_loop3A_359 = arith.cmpf olt, %parallel_loop3A_288, %add3A_95 : vector<16xf32>
        %parallel_loop3A_360 = arith.xori %parallel_loop3A_358, %parallel_loop3A_359 : vector<16xi1>
        %parallel_loop3A_361 = arith.mulf %parallel_loop3A_357, %parallel_loop3A_296 : vector<16xf32>
        %parallel_loop3A_362 = arith.addf %parallel_loop3A_249, %parallel_loop3A_361 : vector<16xf32>
        %parallel_loop3A_363 = arith.constant 0.000000e+00 : f32
        %parallel_loop3A_364 = arith.constant 2.550000e+02 : f32
        %parallel_loop3A_365 = vector.broadcast %parallel_loop3A_363 : f32 to vector<16xf32>
        %parallel_loop3A_366 = arith.maximumf %parallel_loop3A_365, %parallel_loop3A_362 : vector<16xf32>
        %parallel_loop3A_367 = vector.broadcast %parallel_loop3A_364 : f32 to vector<16xf32>
        %parallel_loop3A_368 = arith.minimumf %parallel_loop3A_367, %parallel_loop3A_366 : vector<16xf32>
        %parallel_loop3A_369 = arith.fptosi %parallel_loop3A_368 : vector<16xf32> to vector<16xi32>
        %parallel_loop3A_370 = arith.constant 2 : i32
        %parallel_loop3A_371 = vector.broadcast %parallel_loop3A_370 : i32 to vector<16xi32>
        %parallel_loop3A_372 = arith.shrui %parallel_loop3A_369, %parallel_loop3A_371 : vector<16xi32>
        %parallel_loop3A_373 = arith.constant 3 : i32
        %parallel_loop3A_374 = vector.broadcast %parallel_loop3A_373 : i32 to vector<16xi32>
        %parallel_loop3A_375 = arith.andi %parallel_loop3A_369, %parallel_loop3A_374 : vector<16xi32>
        %parallel_loop3A_376 = arith.constant 3 : i32
        %parallel_loop3A_377 = vector.broadcast %parallel_loop3A_376 : i32 to vector<16xi32>
        %parallel_loop3A_378 = arith.shli %parallel_loop3A_375, %parallel_loop3A_377 : vector<16xi32>
        %parallel_loop3A_379 = vector.broadcast %scan3A_1 : i32 to vector<16xi32>
        %parallel_loop3A_380 = arith.shli %parallel_loop3A_379, %parallel_loop3A_378 : vector<16xi32>
        %parallel_loop3A_381 = arith.constant 0 : i32
        %parallel_loop3A_382 = arith.constant 0 : i32
        %parallel_loop3A_383 = arith.constant 0 : i32
        %parallel_loop3A_384 = tpu.memref_slice %arg6[%parallel_loop3A_381, %parallel_loop3A_382, %parallel_loop3A_383] : memref<2x64x65xi32, #tpu.memory_space<vmem>> -> memref<1x64x65xi32, #tpu.memory_space<vmem>>
        %parallel_loop3A_385 = tpu.memref_squeeze %parallel_loop3A_384 : memref<1x64x65xi32, #tpu.memory_space<vmem>> -> memref<64x65xi32, #tpu.memory_space<vmem>>
        tpu.vector_store_idx %parallel_loop3A_385[%add3A_108, %parallel_loop3A_372], %parallel_loop3A_380 masked %parallel_loop3A_360 {add = true} : memref<64x65xi32, #tpu.memory_space<vmem>>[vector<16xi32>, vector<16xi32>], vector<16xi32>, vector<16xi1>
        %parallel_loop3A_386 = arith.addf %parallel_loop3A_357, %parallel_loop3A_299 : vector<16xf32>
        %parallel_loop3A_387 = arith.cmpf olt, %parallel_loop3A_262, %add3A_99 : vector<16xf32>
        %parallel_loop3A_388 = arith.cmpf olt, %parallel_loop3A_288, %add3A_99 : vector<16xf32>
        %parallel_loop3A_389 = arith.xori %parallel_loop3A_387, %parallel_loop3A_388 : vector<16xi1>
        %parallel_loop3A_390 = arith.mulf %parallel_loop3A_386, %parallel_loop3A_296 : vector<16xf32>
        %parallel_loop3A_391 = arith.addf %parallel_loop3A_249, %parallel_loop3A_390 : vector<16xf32>
        %parallel_loop3A_392 = arith.constant 0.000000e+00 : f32
        %parallel_loop3A_393 = arith.constant 2.550000e+02 : f32
        %parallel_loop3A_394 = vector.broadcast %parallel_loop3A_392 : f32 to vector<16xf32>
        %parallel_loop3A_395 = arith.maximumf %parallel_loop3A_394, %parallel_loop3A_391 : vector<16xf32>
        %parallel_loop3A_396 = vector.broadcast %parallel_loop3A_393 : f32 to vector<16xf32>
        %parallel_loop3A_397 = arith.minimumf %parallel_loop3A_396, %parallel_loop3A_395 : vector<16xf32>
        %parallel_loop3A_398 = arith.fptosi %parallel_loop3A_397 : vector<16xf32> to vector<16xi32>
        %parallel_loop3A_399 = arith.constant 2 : i32
        %parallel_loop3A_400 = vector.broadcast %parallel_loop3A_399 : i32 to vector<16xi32>
        %parallel_loop3A_401 = arith.shrui %parallel_loop3A_398, %parallel_loop3A_400 : vector<16xi32>
        %parallel_loop3A_402 = arith.constant 3 : i32
        %parallel_loop3A_403 = vector.broadcast %parallel_loop3A_402 : i32 to vector<16xi32>
        %parallel_loop3A_404 = arith.andi %parallel_loop3A_398, %parallel_loop3A_403 : vector<16xi32>
        %parallel_loop3A_405 = arith.constant 3 : i32
        %parallel_loop3A_406 = vector.broadcast %parallel_loop3A_405 : i32 to vector<16xi32>
        %parallel_loop3A_407 = arith.shli %parallel_loop3A_404, %parallel_loop3A_406 : vector<16xi32>
        %parallel_loop3A_408 = vector.broadcast %scan3A_1 : i32 to vector<16xi32>
        %parallel_loop3A_409 = arith.shli %parallel_loop3A_408, %parallel_loop3A_407 : vector<16xi32>
        %parallel_loop3A_410 = arith.constant 0 : i32
        %parallel_loop3A_411 = arith.constant 0 : i32
        %parallel_loop3A_412 = arith.constant 0 : i32
        %parallel_loop3A_413 = tpu.memref_slice %arg6[%parallel_loop3A_410, %parallel_loop3A_411, %parallel_loop3A_412] : memref<2x64x65xi32, #tpu.memory_space<vmem>> -> memref<1x64x65xi32, #tpu.memory_space<vmem>>
        %parallel_loop3A_414 = tpu.memref_squeeze %parallel_loop3A_413 : memref<1x64x65xi32, #tpu.memory_space<vmem>> -> memref<64x65xi32, #tpu.memory_space<vmem>>
        tpu.vector_store_idx %parallel_loop3A_414[%add3A_111, %parallel_loop3A_401], %parallel_loop3A_409 masked %parallel_loop3A_389 {add = true} : memref<64x65xi32, #tpu.memory_space<vmem>>[vector<16xi32>, vector<16xi32>], vector<16xi32>, vector<16xi1>
      } {sc.loop_unroll_factor = 4 : i64, sc.parallel_access}
      %mul3A_115 = arith.constant 64 : i32
      %mul3A_116 = arith.muli %sub3A_72, %mul3A_115 : i32
      %dma_start3A = arith.constant 0 : i32
      %dma_start3A_117 = arith.constant 0 : i32
      %dma_start3A_118 = arith.constant 0 : i32
      %dma_start3A_119 = arith.constant 0 : i32
      %dma_start3A_120 = tpu.memref_slice %arg6[%dma_start3A, %dma_start3A_118, %dma_start3A_119] : memref<2x64x65xi32, #tpu.memory_space<vmem>> -> memref<1x64x64xi32, #tpu.memory_space<vmem>>
      %dma_start3A_121 = tpu.memref_squeeze %dma_start3A_120 : memref<1x64x64xi32, #tpu.memory_space<vmem>> -> memref<64x64xi32, #tpu.memory_space<vmem>>
      %dma_start3A_122 = arith.constant 0 : i32
      %dma_start3A_123 = tpu.memref_slice %arg4[%select_n3A, %mul3A_116, %dma_start3A_122] : memref<64x256x64xi32, #tpu.memory_space<hbm>> -> memref<1x64x64xi32, #tpu.memory_space<hbm>>
      %dma_start3A_124 = tpu.memref_squeeze %dma_start3A_123 : memref<1x64x64xi32, #tpu.memory_space<hbm>> -> memref<64x64xi32, #tpu.memory_space<hbm>>
      %dma_start3A_125 = tpu.memref_slice %arg7[%dma_start3A_117] : memref<2x!tpu.dma_semaphore, #tpu.memory_space<semaphore_mem>> -> memref<1x!tpu.dma_semaphore, #tpu.memory_space<semaphore_mem>>
      %dma_start3A_126 = tpu.memref_squeeze %dma_start3A_125 : memref<1x!tpu.dma_semaphore, #tpu.memory_space<semaphore_mem>> -> memref<!tpu.dma_semaphore, #tpu.memory_space<semaphore_mem>>
      %dma_start3A_127 = arith.constant 0 : i32
      %dma_start3A_128 = tpu.memref_slice %arg4[%select_n3A, %mul3A_116, %dma_start3A_127] : memref<64x256x64xi32, #tpu.memory_space<hbm>> -> memref<1x64x64xi32, #tpu.memory_space<hbm>>
      %dma_start3A_129 = tpu.memref_squeeze %dma_start3A_128 : memref<1x64x64xi32, #tpu.memory_space<hbm>> -> memref<64x64xi32, #tpu.memory_space<hbm>>
      %dma_start3A_130 = arith.constant 0 : i32
      %dma_start3A_131 = arith.constant 0 : i32
      %dma_start3A_132 = tpu.memref_slice %arg6[%dma_start3A, %dma_start3A_130, %dma_start3A_131] : memref<2x64x65xi32, #tpu.memory_space<vmem>> -> memref<1x64x64xi32, #tpu.memory_space<vmem>>
      %dma_start3A_133 = tpu.memref_squeeze %dma_start3A_132 : memref<1x64x64xi32, #tpu.memory_space<vmem>> -> memref<64x64xi32, #tpu.memory_space<vmem>>
      tpu.enqueue_dma source(%dma_start3A_133 : memref<64x64xi32, #tpu.memory_space<vmem>>) target(%dma_start3A_129 : memref<64x64xi32, #tpu.memory_space<hbm>>) target_semaphore(%dma_start3A_126 : memref<!tpu.dma_semaphore, #tpu.memory_space<semaphore_mem>>)
      %mul3A_134 = arith.constant 2 : i32
      %mul3A_135 = arith.muli %scan3A_48, %mul3A_134 : i32
      %add3A_136 = arith.constant 1 : i32
      %add3A_137 = arith.addi %mul3A_135, %add3A_136 : i32
      %mul3A_138 = arith.constant 8 : i32
      %mul3A_139 = arith.muli %add3A, %mul3A_138 : i32
      %add3A_140 = arith.addi %mul3A_139, %add3A_137 : i32
      %jit3A_141 = arith.constant 4 : i32
      %div3A_142 = arith.divsi %add3A_140, %jit3A_141 : i32
      %sign3A_143 = arith.constant 0 : i32
      %sign3A_144 = arith.cmpi sgt, %add3A_140, %sign3A_143 : i32
      %sign3A_145 = arith.extui %sign3A_144 : i1 to i32
      %sign3A_146 = arith.constant 0 : i32
      %sign3A_147 = arith.cmpi slt, %add3A_140, %sign3A_146 : i32
      %sign3A_148 = arith.extui %sign3A_147 : i1 to i32
      %sign3A_149 = arith.subi %sign3A_145, %sign3A_148 : i32
      %sign3A_150 = arith.constant 0 : i32
      %sign3A_151 = arith.cmpi sgt, %jit3A_141, %sign3A_150 : i32
      %sign3A_152 = arith.extui %sign3A_151 : i1 to i32
      %sign3A_153 = arith.constant 0 : i32
      %sign3A_154 = arith.cmpi slt, %jit3A_141, %sign3A_153 : i32
      %sign3A_155 = arith.extui %sign3A_154 : i1 to i32
      %sign3A_156 = arith.subi %sign3A_152, %sign3A_155 : i32
      %ne3A_157 = arith.cmpi ne, %sign3A_149, %sign3A_156 : i32
      %rem3A_158 = arith.remsi %add3A_140, %jit3A_141 : i32
      %ne3A_159 = arith.constant 0 : i32
      %ne3A_160 = arith.cmpi ne, %rem3A_158, %ne3A_159 : i32
      %and3A_161 = arith.andi %ne3A_157, %ne3A_160 : i1
      %sub3A_162 = arith.constant 1 : i32
      %sub3A_163 = arith.subi %div3A_142, %sub3A_162 : i32
      %select_n3A_164 = arith.select %and3A_161, %sub3A_163, %div3A_142 : i32
      %mul3A_165 = arith.constant 4 : i32
      %mul3A_166 = arith.muli %select_n3A_164, %mul3A_165 : i32
      %sub3A_167 = arith.subi %add3A_140, %mul3A_166 : i32
      %ge3A_168 = arith.constant 2 : i32
      %ge3A_169 = arith.cmpi sge, %add3A_137, %ge3A_168 : i32
      %convert_element_type3A_170 = arith.extui %ge3A_169 : i1 to i32
      %cond3A_171 = arith.constant 1 : i32
      %cond3A_172 = arith.constant 0 : i32
      %cond3A_173 = arith.cmpi ne, %convert_element_type3A_170, %cond3A_172 : i32
      scf.if %cond3A_173 {
        %mul3A_236 = arith.constant 64 : i32
        %mul3A_237 = arith.muli %sub3A_167, %mul3A_236 : i32
        %dma_wait3A_238 = arith.constant 1 : i32
        %dma_wait3A_239 = arith.constant 0 : i32
        %dma_wait3A_240 = arith.constant 0 : i32
        %dma_wait3A_241 = tpu.memref_slice %arg6[%dma_wait3A_238, %dma_wait3A_239, %dma_wait3A_240] : memref<2x64x65xi32, #tpu.memory_space<vmem>> -> memref<1x64x64xi32, #tpu.memory_space<vmem>>
        %dma_wait3A_242 = tpu.memref_squeeze %dma_wait3A_241 : memref<1x64x64xi32, #tpu.memory_space<vmem>> -> memref<64x64xi32, #tpu.memory_space<vmem>>
        %dma_wait3A_243 = arith.constant 0 : i32
        %dma_wait3A_244 = tpu.memref_slice %arg4[%select_n3A_164, %mul3A_237, %dma_wait3A_243] : memref<64x256x64xi32, #tpu.memory_space<hbm>> -> memref<1x64x64xi32, #tpu.memory_space<hbm>>
        %dma_wait3A_245 = tpu.memref_squeeze %dma_wait3A_244 : memref<1x64x64xi32, #tpu.memory_space<hbm>> -> memref<64x64xi32, #tpu.memory_space<hbm>>
        %dma_wait3A_246 = tpu.memref_slice %arg7[%cond3A_171] : memref<2x!tpu.dma_semaphore, #tpu.memory_space<semaphore_mem>> -> memref<1x!tpu.dma_semaphore, #tpu.memory_space<semaphore_mem>>
        %dma_wait3A_247 = tpu.memref_squeeze %dma_wait3A_246 : memref<1x!tpu.dma_semaphore, #tpu.memory_space<semaphore_mem>> -> memref<!tpu.dma_semaphore, #tpu.memory_space<semaphore_mem>>
        %dma_wait3A_248 = arith.constant 0 : i32
        %dma_wait3A_249 = tpu.memref_slice %arg4[%select_n3A_164, %mul3A_237, %dma_wait3A_248] : memref<64x256x64xi32, #tpu.memory_space<hbm>> -> memref<1x64x64xi32, #tpu.memory_space<hbm>>
        %dma_wait3A_250 = tpu.memref_squeeze %dma_wait3A_249 : memref<1x64x64xi32, #tpu.memory_space<hbm>> -> memref<64x64xi32, #tpu.memory_space<hbm>>
        %dma_wait3A_251 = arith.constant 0 : i32
        %dma_wait3A_252 = arith.constant 0 : i32
        %dma_wait3A_253 = tpu.memref_slice %arg6[%dma_wait3A_238, %dma_wait3A_251, %dma_wait3A_252] : memref<2x64x65xi32, #tpu.memory_space<vmem>> -> memref<1x64x64xi32, #tpu.memory_space<vmem>>
        %dma_wait3A_254 = tpu.memref_squeeze %dma_wait3A_253 : memref<1x64x64xi32, #tpu.memory_space<vmem>> -> memref<64x64xi32, #tpu.memory_space<vmem>>
        tpu.wait_dma2 semaphore(%dma_wait3A_247 : memref<!tpu.dma_semaphore, #tpu.memory_space<semaphore_mem>>) src(%dma_wait3A_254 : memref<64x64xi32, #tpu.memory_space<vmem>>) dst(%dma_wait3A_250 : memref<64x64xi32, #tpu.memory_space<hbm>>)
      } else {
      }
      %eq3A_174 = arith.constant 0 : i32
      %eq3A_175 = arith.cmpi eq, %sub3A_167, %eq3A_174 : i32
      %convert_element_type3A_176 = arith.extui %eq3A_175 : i1 to i32
      %cond3A_177 = arith.constant 0 : i32
      %cond3A_178 = arith.cmpi ne, %convert_element_type3A_176, %cond3A_177 : i32
      scf.if %cond3A_178 {
        "tpu.region"() ({
          %run_scoped3A_236 = tpu.sem_alloc : memref<!tpu.dma_semaphore, #tpu.memory_space<semaphore_mem>>
          %dma_start3A_237 = arith.constant 0 : i32
          %dma_start3A_238 = tpu.memref_slice %arg2[%select_n3A_164, %dma_start3A_237] : memref<64x4096xf32, #tpu.memory_space<hbm>> -> memref<1x4096xf32, #tpu.memory_space<hbm>>
          %dma_start3A_239 = tpu.memref_squeeze %dma_start3A_238 : memref<1x4096xf32, #tpu.memory_space<hbm>> -> memref<4096xf32, #tpu.memory_space<hbm>>
          %dma_start3A_240 = arith.constant 0 : i32
          %dma_start3A_241 = tpu.memref_slice %arg2[%select_n3A_164, %dma_start3A_240] : memref<64x4096xf32, #tpu.memory_space<hbm>> -> memref<1x4096xf32, #tpu.memory_space<hbm>>
          %dma_start3A_242 = tpu.memref_squeeze %dma_start3A_241 : memref<1x4096xf32, #tpu.memory_space<hbm>> -> memref<4096xf32, #tpu.memory_space<hbm>>
          tpu.enqueue_dma source(%dma_start3A_242 : memref<4096xf32, #tpu.memory_space<hbm>>) target(%arg5 : memref<4096xf32, #tpu.memory_space<vmem>>) target_semaphore(%run_scoped3A_236 : memref<!tpu.dma_semaphore, #tpu.memory_space<semaphore_mem>>)
          %dma_wait3A_243 = arith.constant 0 : i32
          %dma_wait3A_244 = tpu.memref_slice %arg2[%select_n3A_164, %dma_wait3A_243] : memref<64x4096xf32, #tpu.memory_space<hbm>> -> memref<1x4096xf32, #tpu.memory_space<hbm>>
          %dma_wait3A_245 = tpu.memref_squeeze %dma_wait3A_244 : memref<1x4096xf32, #tpu.memory_space<hbm>> -> memref<4096xf32, #tpu.memory_space<hbm>>
          %dma_wait3A_246 = arith.constant 0 : i32
          %dma_wait3A_247 = tpu.memref_slice %arg2[%select_n3A_164, %dma_wait3A_246] : memref<64x4096xf32, #tpu.memory_space<hbm>> -> memref<1x4096xf32, #tpu.memory_space<hbm>>
          %dma_wait3A_248 = tpu.memref_squeeze %dma_wait3A_247 : memref<1x4096xf32, #tpu.memory_space<hbm>> -> memref<4096xf32, #tpu.memory_space<hbm>>
          tpu.wait_dma2 semaphore(%run_scoped3A_236 : memref<!tpu.dma_semaphore, #tpu.memory_space<semaphore_mem>>) src(%dma_wait3A_248 : memref<4096xf32, #tpu.memory_space<hbm>>) dst(%arg5 : memref<4096xf32, #tpu.memory_space<vmem>>)
          tpu.yield
        }) : () -> ()
      } else {
      }
      %run_scoped3A_179 = arith.constant 1 : i32
      "tpu.region"() ({
        %run_scoped3A_236 = tpu.sem_alloc : memref<!tpu.dma_semaphore, #tpu.memory_space<semaphore_mem>>
        %dma_start3A_237 = arith.constant 0 : i32
        %dma_start3A_238 = arith.constant 0 : i32
        %dma_start3A_239 = tpu.memref_slice %arg6[%run_scoped3A_179, %dma_start3A_237, %dma_start3A_238] : memref<2x64x65xi32, #tpu.memory_space<vmem>> -> memref<1x64x65xi32, #tpu.memory_space<vmem>>
        %dma_start3A_240 = tpu.memref_squeeze %dma_start3A_239 : memref<1x64x65xi32, #tpu.memory_space<vmem>> -> memref<64x65xi32, #tpu.memory_space<vmem>>
        %dma_start3A_241 = arith.constant 0 : i32
        %dma_start3A_242 = arith.constant 0 : i32
        %dma_start3A_243 = tpu.memref_slice %arg6[%run_scoped3A_179, %dma_start3A_241, %dma_start3A_242] : memref<2x64x65xi32, #tpu.memory_space<vmem>> -> memref<1x64x65xi32, #tpu.memory_space<vmem>>
        %dma_start3A_244 = tpu.memref_squeeze %dma_start3A_243 : memref<1x64x65xi32, #tpu.memory_space<vmem>> -> memref<64x65xi32, #tpu.memory_space<vmem>>
        tpu.enqueue_dma source(%arg3 : memref<64x65xi32, #tpu.memory_space<hbm>>) target(%dma_start3A_244 : memref<64x65xi32, #tpu.memory_space<vmem>>) target_semaphore(%run_scoped3A_236 : memref<!tpu.dma_semaphore, #tpu.memory_space<semaphore_mem>>)
        %dma_wait3A_245 = arith.constant 0 : i32
        %dma_wait3A_246 = arith.constant 0 : i32
        %dma_wait3A_247 = tpu.memref_slice %arg6[%run_scoped3A_179, %dma_wait3A_245, %dma_wait3A_246] : memref<2x64x65xi32, #tpu.memory_space<vmem>> -> memref<1x64x65xi32, #tpu.memory_space<vmem>>
        %dma_wait3A_248 = tpu.memref_squeeze %dma_wait3A_247 : memref<1x64x65xi32, #tpu.memory_space<vmem>> -> memref<64x65xi32, #tpu.memory_space<vmem>>
        %dma_wait3A_249 = arith.constant 0 : i32
        %dma_wait3A_250 = arith.constant 0 : i32
        %dma_wait3A_251 = tpu.memref_slice %arg6[%run_scoped3A_179, %dma_wait3A_249, %dma_wait3A_250] : memref<2x64x65xi32, #tpu.memory_space<vmem>> -> memref<1x64x65xi32, #tpu.memory_space<vmem>>
        %dma_wait3A_252 = tpu.memref_squeeze %dma_wait3A_251 : memref<1x64x65xi32, #tpu.memory_space<vmem>> -> memref<64x65xi32, #tpu.memory_space<vmem>>
        tpu.wait_dma2 semaphore(%run_scoped3A_236 : memref<!tpu.dma_semaphore, #tpu.memory_space<semaphore_mem>>) src(%arg3 : memref<64x65xi32, #tpu.memory_space<hbm>>) dst(%dma_wait3A_252 : memref<64x65xi32, #tpu.memory_space<vmem>>)
        tpu.yield
      }) : () -> ()
      %mul3A_180 = arith.constant 64 : i32
      %mul3A_181 = arith.muli %sub3A_167, %mul3A_180 : i32
      %convert_element_type3A_182 = arith.sitofp %mul3A_181 : i32 to f32
      %add3A_183 = arith.constant 0.000000e+00 : f32
      %add3A_184 = arith.addf %convert_element_type3A_182, %add3A_183 : f32
      %add3A_185 = vector.broadcast %add3A_184 : f32 to vector<16xf32>
      %add3A_186 = arith.addf %convert_element_type3A, %add3A_185 : vector<16xf32>
      %add3A_187 = arith.constant 1.600000e+01 : f32
      %add3A_188 = arith.addf %convert_element_type3A_182, %add3A_187 : f32
      %add3A_189 = vector.broadcast %add3A_188 : f32 to vector<16xf32>
      %add3A_190 = arith.addf %convert_element_type3A, %add3A_189 : vector<16xf32>
      %add3A_191 = arith.constant 3.200000e+01 : f32
      %add3A_192 = arith.addf %convert_element_type3A_182, %add3A_191 : f32
      %add3A_193 = vector.broadcast %add3A_192 : f32 to vector<16xf32>
      %add3A_194 = arith.addf %convert_element_type3A, %add3A_193 : vector<16xf32>
      %add3A_195 = arith.constant 4.800000e+01 : f32
      %add3A_196 = arith.addf %convert_element_type3A_182, %add3A_195 : f32
      %add3A_197 = vector.broadcast %add3A_196 : f32 to vector<16xf32>
      %add3A_198 = arith.addf %convert_element_type3A, %add3A_197 : vector<16xf32>
      %add3A_199 = arith.constant 0 : i32
      %add3A_200 = vector.broadcast %add3A_199 : i32 to vector<16xi32>
      %add3A_201 = arith.addi %iota3A, %add3A_200 : vector<16xi32>
      %add3A_202 = arith.constant 16 : i32
      %add3A_203 = vector.broadcast %add3A_202 : i32 to vector<16xi32>
      %add3A_204 = arith.addi %iota3A, %add3A_203 : vector<16xi32>
      %add3A_205 = arith.constant 32 : i32
      %add3A_206 = vector.broadcast %add3A_205 : i32 to vector<16xi32>
      %add3A_207 = arith.addi %iota3A, %add3A_206 : vector<16xi32>
      %add3A_208 = arith.constant 48 : i32
      %add3A_209 = vector.broadcast %add3A_208 : i32 to vector<16xi32>
      %add3A_210 = arith.addi %iota3A, %add3A_209 : vector<16xi32>
      %broadcast_in_dim3A_211 = arith.constant 1.600000e+01 : f32
      %broadcast_in_dim3A_212 = vector.broadcast %broadcast_in_dim3A_211 : f32 to vector<16xf32>
      %parallel_loop3A_213 = arith.constant 0 : i32
      %parallel_loop3A_214 = arith.constant 64 : i32
      %parallel_loop3A_215 = arith.constant 1 : i32
      scf.for %parallel_loop3A_236 = %parallel_loop3A_213 to %parallel_loop3A_214 step %parallel_loop3A_215  : i32 {
        %parallel_loop3A_237 = arith.constant 16 : i32
        %parallel_loop3A_238 = arith.muli %parallel_loop3A_236, %parallel_loop3A_237 : i32
        %parallel_loop3A_239 = arith.index_cast %parallel_loop3A_238 : i32 to index
        %parallel_loop3A_240 = tpu.vector_load %arg5[%parallel_loop3A_239] {strides = array<i32>} : memref<4096xf32, #tpu.memory_space<vmem>>, vector<16xf32>,
        %parallel_loop3A_241 = arith.constant 2.550000e+02 : f32
        %parallel_loop3A_242 = vector.broadcast %parallel_loop3A_241 : f32 to vector<16xf32>
        %parallel_loop3A_243 = arith.mulf %parallel_loop3A_240, %parallel_loop3A_242 : vector<16xf32>
        %parallel_loop3A_244 = arith.constant 0.000000e+00 : f32
        %parallel_loop3A_245 = arith.constant 2.550000e+02 : f32
        %parallel_loop3A_246 = vector.broadcast %parallel_loop3A_244 : f32 to vector<16xf32>
        %parallel_loop3A_247 = arith.maximumf %parallel_loop3A_246, %parallel_loop3A_243 : vector<16xf32>
        %parallel_loop3A_248 = vector.broadcast %parallel_loop3A_245 : f32 to vector<16xf32>
        %parallel_loop3A_249 = arith.minimumf %parallel_loop3A_248, %parallel_loop3A_247 : vector<16xf32>
        %parallel_loop3A_250 = arith.constant 1024 : i32
        %parallel_loop3A_251 = arith.addi %parallel_loop3A_250, %parallel_loop3A_238 : i32
        %parallel_loop3A_252 = arith.index_cast %parallel_loop3A_251 : i32 to index
        %parallel_loop3A_253 = tpu.vector_load %arg5[%parallel_loop3A_252] {strides = array<i32>} : memref<4096xf32, #tpu.memory_space<vmem>>, vector<16xf32>,
        %parallel_loop3A_254 = arith.constant 2.550000e+02 : f32
        %parallel_loop3A_255 = vector.broadcast %parallel_loop3A_254 : f32 to vector<16xf32>
        %parallel_loop3A_256 = arith.mulf %parallel_loop3A_253, %parallel_loop3A_255 : vector<16xf32>
        %parallel_loop3A_257 = arith.constant 0.000000e+00 : f32
        %parallel_loop3A_258 = arith.constant 2.550000e+02 : f32
        %parallel_loop3A_259 = vector.broadcast %parallel_loop3A_257 : f32 to vector<16xf32>
        %parallel_loop3A_260 = arith.maximumf %parallel_loop3A_259, %parallel_loop3A_256 : vector<16xf32>
        %parallel_loop3A_261 = vector.broadcast %parallel_loop3A_258 : f32 to vector<16xf32>
        %parallel_loop3A_262 = arith.minimumf %parallel_loop3A_261, %parallel_loop3A_260 : vector<16xf32>
        %parallel_loop3A_263 = arith.constant 2048 : i32
        %parallel_loop3A_264 = arith.addi %parallel_loop3A_263, %parallel_loop3A_238 : i32
        %parallel_loop3A_265 = arith.index_cast %parallel_loop3A_264 : i32 to index
        %parallel_loop3A_266 = tpu.vector_load %arg5[%parallel_loop3A_265] {strides = array<i32>} : memref<4096xf32, #tpu.memory_space<vmem>>, vector<16xf32>,
        %parallel_loop3A_267 = arith.constant 2.550000e+02 : f32
        %parallel_loop3A_268 = vector.broadcast %parallel_loop3A_267 : f32 to vector<16xf32>
        %parallel_loop3A_269 = arith.mulf %parallel_loop3A_266, %parallel_loop3A_268 : vector<16xf32>
        %parallel_loop3A_270 = arith.constant 0.000000e+00 : f32
        %parallel_loop3A_271 = arith.constant 2.550000e+02 : f32
        %parallel_loop3A_272 = vector.broadcast %parallel_loop3A_270 : f32 to vector<16xf32>
        %parallel_loop3A_273 = arith.maximumf %parallel_loop3A_272, %parallel_loop3A_269 : vector<16xf32>
        %parallel_loop3A_274 = vector.broadcast %parallel_loop3A_271 : f32 to vector<16xf32>
        %parallel_loop3A_275 = arith.minimumf %parallel_loop3A_274, %parallel_loop3A_273 : vector<16xf32>
        %parallel_loop3A_276 = arith.constant 3072 : i32
        %parallel_loop3A_277 = arith.addi %parallel_loop3A_276, %parallel_loop3A_238 : i32
        %parallel_loop3A_278 = arith.index_cast %parallel_loop3A_277 : i32 to index
        %parallel_loop3A_279 = tpu.vector_load %arg5[%parallel_loop3A_278] {strides = array<i32>} : memref<4096xf32, #tpu.memory_space<vmem>>, vector<16xf32>,
        %parallel_loop3A_280 = arith.constant 2.550000e+02 : f32
        %parallel_loop3A_281 = vector.broadcast %parallel_loop3A_280 : f32 to vector<16xf32>
        %parallel_loop3A_282 = arith.mulf %parallel_loop3A_279, %parallel_loop3A_281 : vector<16xf32>
        %parallel_loop3A_283 = arith.constant 0.000000e+00 : f32
        %parallel_loop3A_284 = arith.constant 2.550000e+02 : f32
        %parallel_loop3A_285 = vector.broadcast %parallel_loop3A_283 : f32 to vector<16xf32>
        %parallel_loop3A_286 = arith.maximumf %parallel_loop3A_285, %parallel_loop3A_282 : vector<16xf32>
        %parallel_loop3A_287 = vector.broadcast %parallel_loop3A_284 : f32 to vector<16xf32>
        %parallel_loop3A_288 = arith.minimumf %parallel_loop3A_287, %parallel_loop3A_286 : vector<16xf32>
        %parallel_loop3A_289 = arith.subf %parallel_loop3A_288, %parallel_loop3A_262 : vector<16xf32>
        %parallel_loop3A_290 = arith.constant 0.000000e+00 : f32
        %parallel_loop3A_291 = vector.broadcast %parallel_loop3A_290 : f32 to vector<16xf32>
        %parallel_loop3A_292 = arith.cmpf oeq, %parallel_loop3A_289, %parallel_loop3A_291 : vector<16xf32>
        %parallel_loop3A_293 = arith.constant 1.000000e+00 : f32
        %parallel_loop3A_294 = vector.broadcast %parallel_loop3A_293 : f32 to vector<16xf32>
        %parallel_loop3A_295 = arith.select %parallel_loop3A_292, %parallel_loop3A_294, %parallel_loop3A_289 : vector<16xi1>, vector<16xf32>
        %parallel_loop3A_296 = arith.subf %parallel_loop3A_275, %parallel_loop3A_249 : vector<16xf32>
        %parallel_loop3A_297 = arith.subf %add3A_186, %parallel_loop3A_262 : vector<16xf32>
        %parallel_loop3A_298 = arith.divf %parallel_loop3A_297, %parallel_loop3A_295 : vector<16xf32>
        %parallel_loop3A_299 = arith.divf %broadcast_in_dim3A_212, %parallel_loop3A_295 : vector<16xf32>
        %parallel_loop3A_300 = arith.cmpf olt, %parallel_loop3A_262, %add3A_186 : vector<16xf32>
        %parallel_loop3A_301 = arith.cmpf olt, %parallel_loop3A_288, %add3A_186 : vector<16xf32>
        %parallel_loop3A_302 = arith.xori %parallel_loop3A_300, %parallel_loop3A_301 : vector<16xi1>
        %parallel_loop3A_303 = arith.mulf %parallel_loop3A_298, %parallel_loop3A_296 : vector<16xf32>
        %parallel_loop3A_304 = arith.addf %parallel_loop3A_249, %parallel_loop3A_303 : vector<16xf32>
        %parallel_loop3A_305 = arith.constant 0.000000e+00 : f32
        %parallel_loop3A_306 = arith.constant 2.550000e+02 : f32
        %parallel_loop3A_307 = vector.broadcast %parallel_loop3A_305 : f32 to vector<16xf32>
        %parallel_loop3A_308 = arith.maximumf %parallel_loop3A_307, %parallel_loop3A_304 : vector<16xf32>
        %parallel_loop3A_309 = vector.broadcast %parallel_loop3A_306 : f32 to vector<16xf32>
        %parallel_loop3A_310 = arith.minimumf %parallel_loop3A_309, %parallel_loop3A_308 : vector<16xf32>
        %parallel_loop3A_311 = arith.fptosi %parallel_loop3A_310 : vector<16xf32> to vector<16xi32>
        %parallel_loop3A_312 = arith.constant 2 : i32
        %parallel_loop3A_313 = vector.broadcast %parallel_loop3A_312 : i32 to vector<16xi32>
        %parallel_loop3A_314 = arith.shrui %parallel_loop3A_311, %parallel_loop3A_313 : vector<16xi32>
        %parallel_loop3A_315 = arith.constant 3 : i32
        %parallel_loop3A_316 = vector.broadcast %parallel_loop3A_315 : i32 to vector<16xi32>
        %parallel_loop3A_317 = arith.andi %parallel_loop3A_311, %parallel_loop3A_316 : vector<16xi32>
        %parallel_loop3A_318 = arith.constant 3 : i32
        %parallel_loop3A_319 = vector.broadcast %parallel_loop3A_318 : i32 to vector<16xi32>
        %parallel_loop3A_320 = arith.shli %parallel_loop3A_317, %parallel_loop3A_319 : vector<16xi32>
        %parallel_loop3A_321 = vector.broadcast %scan3A_1 : i32 to vector<16xi32>
        %parallel_loop3A_322 = arith.shli %parallel_loop3A_321, %parallel_loop3A_320 : vector<16xi32>
        %parallel_loop3A_323 = arith.constant 1 : i32
        %parallel_loop3A_324 = arith.constant 0 : i32
        %parallel_loop3A_325 = arith.constant 0 : i32
        %parallel_loop3A_326 = tpu.memref_slice %arg6[%parallel_loop3A_323, %parallel_loop3A_324, %parallel_loop3A_325] : memref<2x64x65xi32, #tpu.memory_space<vmem>> -> memref<1x64x65xi32, #tpu.memory_space<vmem>>
        %parallel_loop3A_327 = tpu.memref_squeeze %parallel_loop3A_326 : memref<1x64x65xi32, #tpu.memory_space<vmem>> -> memref<64x65xi32, #tpu.memory_space<vmem>>
        tpu.vector_store_idx %parallel_loop3A_327[%add3A_201, %parallel_loop3A_314], %parallel_loop3A_322 masked %parallel_loop3A_302 {add = true} : memref<64x65xi32, #tpu.memory_space<vmem>>[vector<16xi32>, vector<16xi32>], vector<16xi32>, vector<16xi1>
        %parallel_loop3A_328 = arith.addf %parallel_loop3A_298, %parallel_loop3A_299 : vector<16xf32>
        %parallel_loop3A_329 = arith.cmpf olt, %parallel_loop3A_262, %add3A_190 : vector<16xf32>
        %parallel_loop3A_330 = arith.cmpf olt, %parallel_loop3A_288, %add3A_190 : vector<16xf32>
        %parallel_loop3A_331 = arith.xori %parallel_loop3A_329, %parallel_loop3A_330 : vector<16xi1>
        %parallel_loop3A_332 = arith.mulf %parallel_loop3A_328, %parallel_loop3A_296 : vector<16xf32>
        %parallel_loop3A_333 = arith.addf %parallel_loop3A_249, %parallel_loop3A_332 : vector<16xf32>
        %parallel_loop3A_334 = arith.constant 0.000000e+00 : f32
        %parallel_loop3A_335 = arith.constant 2.550000e+02 : f32
        %parallel_loop3A_336 = vector.broadcast %parallel_loop3A_334 : f32 to vector<16xf32>
        %parallel_loop3A_337 = arith.maximumf %parallel_loop3A_336, %parallel_loop3A_333 : vector<16xf32>
        %parallel_loop3A_338 = vector.broadcast %parallel_loop3A_335 : f32 to vector<16xf32>
        %parallel_loop3A_339 = arith.minimumf %parallel_loop3A_338, %parallel_loop3A_337 : vector<16xf32>
        %parallel_loop3A_340 = arith.fptosi %parallel_loop3A_339 : vector<16xf32> to vector<16xi32>
        %parallel_loop3A_341 = arith.constant 2 : i32
        %parallel_loop3A_342 = vector.broadcast %parallel_loop3A_341 : i32 to vector<16xi32>
        %parallel_loop3A_343 = arith.shrui %parallel_loop3A_340, %parallel_loop3A_342 : vector<16xi32>
        %parallel_loop3A_344 = arith.constant 3 : i32
        %parallel_loop3A_345 = vector.broadcast %parallel_loop3A_344 : i32 to vector<16xi32>
        %parallel_loop3A_346 = arith.andi %parallel_loop3A_340, %parallel_loop3A_345 : vector<16xi32>
        %parallel_loop3A_347 = arith.constant 3 : i32
        %parallel_loop3A_348 = vector.broadcast %parallel_loop3A_347 : i32 to vector<16xi32>
        %parallel_loop3A_349 = arith.shli %parallel_loop3A_346, %parallel_loop3A_348 : vector<16xi32>
        %parallel_loop3A_350 = vector.broadcast %scan3A_1 : i32 to vector<16xi32>
        %parallel_loop3A_351 = arith.shli %parallel_loop3A_350, %parallel_loop3A_349 : vector<16xi32>
        %parallel_loop3A_352 = arith.constant 1 : i32
        %parallel_loop3A_353 = arith.constant 0 : i32
        %parallel_loop3A_354 = arith.constant 0 : i32
        %parallel_loop3A_355 = tpu.memref_slice %arg6[%parallel_loop3A_352, %parallel_loop3A_353, %parallel_loop3A_354] : memref<2x64x65xi32, #tpu.memory_space<vmem>> -> memref<1x64x65xi32, #tpu.memory_space<vmem>>
        %parallel_loop3A_356 = tpu.memref_squeeze %parallel_loop3A_355 : memref<1x64x65xi32, #tpu.memory_space<vmem>> -> memref<64x65xi32, #tpu.memory_space<vmem>>
        tpu.vector_store_idx %parallel_loop3A_356[%add3A_204, %parallel_loop3A_343], %parallel_loop3A_351 masked %parallel_loop3A_331 {add = true} : memref<64x65xi32, #tpu.memory_space<vmem>>[vector<16xi32>, vector<16xi32>], vector<16xi32>, vector<16xi1>
        %parallel_loop3A_357 = arith.addf %parallel_loop3A_328, %parallel_loop3A_299 : vector<16xf32>
        %parallel_loop3A_358 = arith.cmpf olt, %parallel_loop3A_262, %add3A_194 : vector<16xf32>
        %parallel_loop3A_359 = arith.cmpf olt, %parallel_loop3A_288, %add3A_194 : vector<16xf32>
        %parallel_loop3A_360 = arith.xori %parallel_loop3A_358, %parallel_loop3A_359 : vector<16xi1>
        %parallel_loop3A_361 = arith.mulf %parallel_loop3A_357, %parallel_loop3A_296 : vector<16xf32>
        %parallel_loop3A_362 = arith.addf %parallel_loop3A_249, %parallel_loop3A_361 : vector<16xf32>
        %parallel_loop3A_363 = arith.constant 0.000000e+00 : f32
        %parallel_loop3A_364 = arith.constant 2.550000e+02 : f32
        %parallel_loop3A_365 = vector.broadcast %parallel_loop3A_363 : f32 to vector<16xf32>
        %parallel_loop3A_366 = arith.maximumf %parallel_loop3A_365, %parallel_loop3A_362 : vector<16xf32>
        %parallel_loop3A_367 = vector.broadcast %parallel_loop3A_364 : f32 to vector<16xf32>
        %parallel_loop3A_368 = arith.minimumf %parallel_loop3A_367, %parallel_loop3A_366 : vector<16xf32>
        %parallel_loop3A_369 = arith.fptosi %parallel_loop3A_368 : vector<16xf32> to vector<16xi32>
        %parallel_loop3A_370 = arith.constant 2 : i32
        %parallel_loop3A_371 = vector.broadcast %parallel_loop3A_370 : i32 to vector<16xi32>
        %parallel_loop3A_372 = arith.shrui %parallel_loop3A_369, %parallel_loop3A_371 : vector<16xi32>
        %parallel_loop3A_373 = arith.constant 3 : i32
        %parallel_loop3A_374 = vector.broadcast %parallel_loop3A_373 : i32 to vector<16xi32>
        %parallel_loop3A_375 = arith.andi %parallel_loop3A_369, %parallel_loop3A_374 : vector<16xi32>
        %parallel_loop3A_376 = arith.constant 3 : i32
        %parallel_loop3A_377 = vector.broadcast %parallel_loop3A_376 : i32 to vector<16xi32>
        %parallel_loop3A_378 = arith.shli %parallel_loop3A_375, %parallel_loop3A_377 : vector<16xi32>
        %parallel_loop3A_379 = vector.broadcast %scan3A_1 : i32 to vector<16xi32>
        %parallel_loop3A_380 = arith.shli %parallel_loop3A_379, %parallel_loop3A_378 : vector<16xi32>
        %parallel_loop3A_381 = arith.constant 1 : i32
        %parallel_loop3A_382 = arith.constant 0 : i32
        %parallel_loop3A_383 = arith.constant 0 : i32
        %parallel_loop3A_384 = tpu.memref_slice %arg6[%parallel_loop3A_381, %parallel_loop3A_382, %parallel_loop3A_383] : memref<2x64x65xi32, #tpu.memory_space<vmem>> -> memref<1x64x65xi32, #tpu.memory_space<vmem>>
        %parallel_loop3A_385 = tpu.memref_squeeze %parallel_loop3A_384 : memref<1x64x65xi32, #tpu.memory_space<vmem>> -> memref<64x65xi32, #tpu.memory_space<vmem>>
        tpu.vector_store_idx %parallel_loop3A_385[%add3A_207, %parallel_loop3A_372], %parallel_loop3A_380 masked %parallel_loop3A_360 {add = true} : memref<64x65xi32, #tpu.memory_space<vmem>>[vector<16xi32>, vector<16xi32>], vector<16xi32>, vector<16xi1>
        %parallel_loop3A_386 = arith.addf %parallel_loop3A_357, %parallel_loop3A_299 : vector<16xf32>
        %parallel_loop3A_387 = arith.cmpf olt, %parallel_loop3A_262, %add3A_198 : vector<16xf32>
        %parallel_loop3A_388 = arith.cmpf olt, %parallel_loop3A_288, %add3A_198 : vector<16xf32>
        %parallel_loop3A_389 = arith.xori %parallel_loop3A_387, %parallel_loop3A_388 : vector<16xi1>
        %parallel_loop3A_390 = arith.mulf %parallel_loop3A_386, %parallel_loop3A_296 : vector<16xf32>
        %parallel_loop3A_391 = arith.addf %parallel_loop3A_249, %parallel_loop3A_390 : vector<16xf32>
        %parallel_loop3A_392 = arith.constant 0.000000e+00 : f32
        %parallel_loop3A_393 = arith.constant 2.550000e+02 : f32
        %parallel_loop3A_394 = vector.broadcast %parallel_loop3A_392 : f32 to vector<16xf32>
        %parallel_loop3A_395 = arith.maximumf %parallel_loop3A_394, %parallel_loop3A_391 : vector<16xf32>
        %parallel_loop3A_396 = vector.broadcast %parallel_loop3A_393 : f32 to vector<16xf32>
        %parallel_loop3A_397 = arith.minimumf %parallel_loop3A_396, %parallel_loop3A_395 : vector<16xf32>
        %parallel_loop3A_398 = arith.fptosi %parallel_loop3A_397 : vector<16xf32> to vector<16xi32>
        %parallel_loop3A_399 = arith.constant 2 : i32
        %parallel_loop3A_400 = vector.broadcast %parallel_loop3A_399 : i32 to vector<16xi32>
        %parallel_loop3A_401 = arith.shrui %parallel_loop3A_398, %parallel_loop3A_400 : vector<16xi32>
        %parallel_loop3A_402 = arith.constant 3 : i32
        %parallel_loop3A_403 = vector.broadcast %parallel_loop3A_402 : i32 to vector<16xi32>
        %parallel_loop3A_404 = arith.andi %parallel_loop3A_398, %parallel_loop3A_403 : vector<16xi32>
        %parallel_loop3A_405 = arith.constant 3 : i32
        %parallel_loop3A_406 = vector.broadcast %parallel_loop3A_405 : i32 to vector<16xi32>
        %parallel_loop3A_407 = arith.shli %parallel_loop3A_404, %parallel_loop3A_406 : vector<16xi32>
        %parallel_loop3A_408 = vector.broadcast %scan3A_1 : i32 to vector<16xi32>
        %parallel_loop3A_409 = arith.shli %parallel_loop3A_408, %parallel_loop3A_407 : vector<16xi32>
        %parallel_loop3A_410 = arith.constant 1 : i32
        %parallel_loop3A_411 = arith.constant 0 : i32
        %parallel_loop3A_412 = arith.constant 0 : i32
        %parallel_loop3A_413 = tpu.memref_slice %arg6[%parallel_loop3A_410, %parallel_loop3A_411, %parallel_loop3A_412] : memref<2x64x65xi32, #tpu.memory_space<vmem>> -> memref<1x64x65xi32, #tpu.memory_space<vmem>>
        %parallel_loop3A_414 = tpu.memref_squeeze %parallel_loop3A_413 : memref<1x64x65xi32, #tpu.memory_space<vmem>> -> memref<64x65xi32, #tpu.memory_space<vmem>>
        tpu.vector_store_idx %parallel_loop3A_414[%add3A_210, %parallel_loop3A_401], %parallel_loop3A_409 masked %parallel_loop3A_389 {add = true} : memref<64x65xi32, #tpu.memory_space<vmem>>[vector<16xi32>, vector<16xi32>], vector<16xi32>, vector<16xi1>
      } {sc.loop_unroll_factor = 4 : i64, sc.parallel_access}
      %mul3A_216 = arith.constant 64 : i32
      %mul3A_217 = arith.muli %sub3A_167, %mul3A_216 : i32
      %dma_start3A_218 = arith.constant 1 : i32
      %dma_start3A_219 = arith.constant 1 : i32
      %dma_start3A_220 = arith.constant 0 : i32
      %dma_start3A_221 = arith.constant 0 : i32
      %dma_start3A_222 = tpu.memref_slice %arg6[%dma_start3A_218, %dma_start3A_220, %dma_start3A_221] : memref<2x64x65xi32, #tpu.memory_space<vmem>> -> memref<1x64x64xi32, #tpu.memory_space<vmem>>
      %dma_start3A_223 = tpu.memref_squeeze %dma_start3A_222 : memref<1x64x64xi32, #tpu.memory_space<vmem>> -> memref<64x64xi32, #tpu.memory_space<vmem>>
      %dma_start3A_224 = arith.constant 0 : i32
      %dma_start3A_225 = tpu.memref_slice %arg4[%select_n3A_164, %mul3A_217, %dma_start3A_224] : memref<64x256x64xi32, #tpu.memory_space<hbm>> -> memref<1x64x64xi32, #tpu.memory_space<hbm>>
      %dma_start3A_226 = tpu.memref_squeeze %dma_start3A_225 : memref<1x64x64xi32, #tpu.memory_space<hbm>> -> memref<64x64xi32, #tpu.memory_space<hbm>>
      %dma_start3A_227 = tpu.memref_slice %arg7[%dma_start3A_219] : memref<2x!tpu.dma_semaphore, #tpu.memory_space<semaphore_mem>> -> memref<1x!tpu.dma_semaphore, #tpu.memory_space<semaphore_mem>>
      %dma_start3A_228 = tpu.memref_squeeze %dma_start3A_227 : memref<1x!tpu.dma_semaphore, #tpu.memory_space<semaphore_mem>> -> memref<!tpu.dma_semaphore, #tpu.memory_space<semaphore_mem>>
      %dma_start3A_229 = arith.constant 0 : i32
      %dma_start3A_230 = tpu.memref_slice %arg4[%select_n3A_164, %mul3A_217, %dma_start3A_229] : memref<64x256x64xi32, #tpu.memory_space<hbm>> -> memref<1x64x64xi32, #tpu.memory_space<hbm>>
      %dma_start3A_231 = tpu.memref_squeeze %dma_start3A_230 : memref<1x64x64xi32, #tpu.memory_space<hbm>> -> memref<64x64xi32, #tpu.memory_space<hbm>>
      %dma_start3A_232 = arith.constant 0 : i32
      %dma_start3A_233 = arith.constant 0 : i32
      %dma_start3A_234 = tpu.memref_slice %arg6[%dma_start3A_218, %dma_start3A_232, %dma_start3A_233] : memref<2x64x65xi32, #tpu.memory_space<vmem>> -> memref<1x64x64xi32, #tpu.memory_space<vmem>>
      %dma_start3A_235 = tpu.memref_squeeze %dma_start3A_234 : memref<1x64x64xi32, #tpu.memory_space<vmem>> -> memref<64x64xi32, #tpu.memory_space<vmem>>
      tpu.enqueue_dma source(%dma_start3A_235 : memref<64x64xi32, #tpu.memory_space<vmem>>) target(%dma_start3A_231 : memref<64x64xi32, #tpu.memory_space<hbm>>) target_semaphore(%dma_start3A_228 : memref<!tpu.dma_semaphore, #tpu.memory_space<semaphore_mem>>)
    }
    %scan3A_6 = arith.constant 4 : i32
    %dma_wait3A = arith.constant 0 : i32
    %dma_wait3A_7 = arith.constant 0 : i32
    %dma_wait3A_8 = arith.constant 0 : i32
    %dma_wait3A_9 = arith.constant 0 : i32
    %dma_wait3A_10 = arith.constant 0 : i32
    %dma_wait3A_11 = tpu.memref_slice %arg6[%dma_wait3A, %dma_wait3A_9, %dma_wait3A_10] : memref<2x64x65xi32, #tpu.memory_space<vmem>> -> memref<1x64x64xi32, #tpu.memory_space<vmem>>
    %dma_wait3A_12 = tpu.memref_squeeze %dma_wait3A_11 : memref<1x64x64xi32, #tpu.memory_space<vmem>> -> memref<64x64xi32, #tpu.memory_space<vmem>>
    %dma_wait3A_13 = arith.constant 0 : i32
    %dma_wait3A_14 = arith.constant 0 : i32
    %dma_wait3A_15 = tpu.memref_slice %arg4[%dma_wait3A_7, %dma_wait3A_13, %dma_wait3A_14] : memref<64x256x64xi32, #tpu.memory_space<hbm>> -> memref<1x64x64xi32, #tpu.memory_space<hbm>>
    %dma_wait3A_16 = tpu.memref_squeeze %dma_wait3A_15 : memref<1x64x64xi32, #tpu.memory_space<hbm>> -> memref<64x64xi32, #tpu.memory_space<hbm>>
    %dma_wait3A_17 = tpu.memref_slice %arg7[%dma_wait3A_8] : memref<2x!tpu.dma_semaphore, #tpu.memory_space<semaphore_mem>> -> memref<1x!tpu.dma_semaphore, #tpu.memory_space<semaphore_mem>>
    %dma_wait3A_18 = tpu.memref_squeeze %dma_wait3A_17 : memref<1x!tpu.dma_semaphore, #tpu.memory_space<semaphore_mem>> -> memref<!tpu.dma_semaphore, #tpu.memory_space<semaphore_mem>>
    %dma_wait3A_19 = arith.constant 0 : i32
    %dma_wait3A_20 = arith.constant 0 : i32
    %dma_wait3A_21 = tpu.memref_slice %arg4[%dma_wait3A_7, %dma_wait3A_19, %dma_wait3A_20] : memref<64x256x64xi32, #tpu.memory_space<hbm>> -> memref<1x64x64xi32, #tpu.memory_space<hbm>>
    %dma_wait3A_22 = tpu.memref_squeeze %dma_wait3A_21 : memref<1x64x64xi32, #tpu.memory_space<hbm>> -> memref<64x64xi32, #tpu.memory_space<hbm>>
    %dma_wait3A_23 = arith.constant 0 : i32
    %dma_wait3A_24 = arith.constant 0 : i32
    %dma_wait3A_25 = tpu.memref_slice %arg6[%dma_wait3A, %dma_wait3A_23, %dma_wait3A_24] : memref<2x64x65xi32, #tpu.memory_space<vmem>> -> memref<1x64x64xi32, #tpu.memory_space<vmem>>
    %dma_wait3A_26 = tpu.memref_squeeze %dma_wait3A_25 : memref<1x64x64xi32, #tpu.memory_space<vmem>> -> memref<64x64xi32, #tpu.memory_space<vmem>>
    tpu.wait_dma2 semaphore(%dma_wait3A_18 : memref<!tpu.dma_semaphore, #tpu.memory_space<semaphore_mem>>) src(%dma_wait3A_26 : memref<64x64xi32, #tpu.memory_space<vmem>>) dst(%dma_wait3A_22 : memref<64x64xi32, #tpu.memory_space<hbm>>)
    %dma_wait3A_27 = arith.constant 1 : i32
    %dma_wait3A_28 = arith.constant 0 : i32
    %dma_wait3A_29 = arith.constant 1 : i32
    %dma_wait3A_30 = arith.constant 0 : i32
    %dma_wait3A_31 = arith.constant 0 : i32
    %dma_wait3A_32 = tpu.memref_slice %arg6[%dma_wait3A_27, %dma_wait3A_30, %dma_wait3A_31] : memref<2x64x65xi32, #tpu.memory_space<vmem>> -> memref<1x64x64xi32, #tpu.memory_space<vmem>>
    %dma_wait3A_33 = tpu.memref_squeeze %dma_wait3A_32 : memref<1x64x64xi32, #tpu.memory_space<vmem>> -> memref<64x64xi32, #tpu.memory_space<vmem>>
    %dma_wait3A_34 = arith.constant 0 : i32
    %dma_wait3A_35 = arith.constant 0 : i32
    %dma_wait3A_36 = tpu.memref_slice %arg4[%dma_wait3A_28, %dma_wait3A_34, %dma_wait3A_35] : memref<64x256x64xi32, #tpu.memory_space<hbm>> -> memref<1x64x64xi32, #tpu.memory_space<hbm>>
    %dma_wait3A_37 = tpu.memref_squeeze %dma_wait3A_36 : memref<1x64x64xi32, #tpu.memory_space<hbm>> -> memref<64x64xi32, #tpu.memory_space<hbm>>
    %dma_wait3A_38 = tpu.memref_slice %arg7[%dma_wait3A_29] : memref<2x!tpu.dma_semaphore, #tpu.memory_space<semaphore_mem>> -> memref<1x!tpu.dma_semaphore, #tpu.memory_space<semaphore_mem>>
    %dma_wait3A_39 = tpu.memref_squeeze %dma_wait3A_38 : memref<1x!tpu.dma_semaphore, #tpu.memory_space<semaphore_mem>> -> memref<!tpu.dma_semaphore, #tpu.memory_space<semaphore_mem>>
    %dma_wait3A_40 = arith.constant 0 : i32
    %dma_wait3A_41 = arith.constant 0 : i32
    %dma_wait3A_42 = tpu.memref_slice %arg4[%dma_wait3A_28, %dma_wait3A_40, %dma_wait3A_41] : memref<64x256x64xi32, #tpu.memory_space<hbm>> -> memref<1x64x64xi32, #tpu.memory_space<hbm>>
    %dma_wait3A_43 = tpu.memref_squeeze %dma_wait3A_42 : memref<1x64x64xi32, #tpu.memory_space<hbm>> -> memref<64x64xi32, #tpu.memory_space<hbm>>
    %dma_wait3A_44 = arith.constant 0 : i32
    %dma_wait3A_45 = arith.constant 0 : i32
    %dma_wait3A_46 = tpu.memref_slice %arg6[%dma_wait3A_27, %dma_wait3A_44, %dma_wait3A_45] : memref<2x64x65xi32, #tpu.memory_space<vmem>> -> memref<1x64x64xi32, #tpu.memory_space<vmem>>
    %dma_wait3A_47 = tpu.memref_squeeze %dma_wait3A_46 : memref<1x64x64xi32, #tpu.memory_space<vmem>> -> memref<64x64xi32, #tpu.memory_space<vmem>>
    tpu.wait_dma2 semaphore(%dma_wait3A_39 : memref<!tpu.dma_semaphore, #tpu.memory_space<semaphore_mem>>) src(%dma_wait3A_47 : memref<64x64xi32, #tpu.memory_space<vmem>>) dst(%dma_wait3A_43 : memref<64x64xi32, #tpu.memory_space<hbm>>)
    return
  }
}

module attributes {stable_mosaic.version = 14 : i64} {
  func.func @_dice_tc(%arg0: i32, %arg1: memref<1x256x64xi32, #tpu.memory_space<vmem>>, %arg2: memref<1x256x256xf32, #tpu.memory_space<vmem>>, %arg3: memref<8x128xf32, #tpu.memory_space<vmem>>) attributes {dimension_semantics = [#tpu.dimension_semantics<arbitrary>], iteration_bounds = array<i64: 64>, scalar_prefetch = 0 : i64, scratch_operands = 0 : i64, tpu.core_type = #tpu.core_type<tc>, window_params = [{transform_indices = @transform_0, window_bounds = array<i64: 1, 256, 64>}, {transform_indices = @transform_1, window_bounds = array<i64: 1, 256, 256>}, {pipeline_mode = #tpu.pipeline_mode<synchronous>, transform_indices = @transform_2, window_bounds = array<i64: 8, 128>}]} {
    %iota3A = tpu.iota {dimensions = array<i32: 0>} : vector<256x256xi32>
    %iota3A_0 = tpu.iota {dimensions = array<i32: 1>} : vector<256x256xi32>
    %jit3A = arith.constant 64 : i32
    %eq3A = arith.constant 0 : i32
    %eq3A_1 = arith.cmpi eq, %jit3A, %eq3A : i32
    %jit3A_2 = arith.constant 1 : i32
    %select_n3A = arith.select %eq3A_1, %jit3A_2, %jit3A : i32
    %rem3A = vector.broadcast %select_n3A : i32 to vector<256x256xi32>
    %rem3A_3 = arith.remsi %iota3A, %rem3A : vector<256x256xi32>
    %ne3A = arith.constant 0 : i32
    %ne3A_4 = vector.broadcast %ne3A : i32 to vector<256x256xi32>
    %ne3A_5 = arith.cmpi ne, %rem3A_3, %ne3A_4 : vector<256x256xi32>
    %lt3A = arith.constant 0 : i32
    %lt3A_6 = vector.broadcast %lt3A : i32 to vector<256x256xi32>
    %lt3A_7 = arith.cmpi slt, %rem3A_3, %lt3A_6 : vector<256x256xi32>
    %lt3A_8 = arith.constant 0 : i32
    %lt3A_9 = arith.cmpi slt, %select_n3A, %lt3A_8 : i32
    %ne3A_10 = vector.broadcast %lt3A_9 : i1 to vector<256x256xi1>
    %ne3A_11 = vector.broadcast %ne3A_10 : vector<256x256xi1> to vector<256x256xi1>
    %ne3A_12 = arith.xori %lt3A_7, %ne3A_11 : vector<256x256xi1>
    %and3A = arith.andi %ne3A_12, %ne3A_5 : vector<256x256xi1>
    %add3A = vector.broadcast %select_n3A : i32 to vector<256x256xi32>
    %add3A_13 = arith.addi %rem3A_3, %add3A : vector<256x256xi32>
    %select_n3A_14 = arith.select %and3A, %add3A_13, %rem3A_3 : vector<256x256xi1>, vector<256x256xi32>
    %mul3A = arith.constant 4 : i32
    %mul3A_15 = vector.broadcast %mul3A : i32 to vector<256x256xi32>
    %mul3A_16 = arith.muli %mul3A_15, %select_n3A_14 : vector<256x256xi32>
    %jit3A_17 = arith.constant 64 : i32
    %div3A = vector.broadcast %jit3A_17 : i32 to vector<256x256xi32>
    %div3A_18 = arith.divsi %iota3A, %div3A : vector<256x256xi32>
    %sign3A = arith.constant 0 : i32
    %sign3A_19 = vector.broadcast %sign3A : i32 to vector<256x256xi32>
    %sign3A_20 = arith.cmpi sgt, %iota3A, %sign3A_19 : vector<256x256xi32>
    %sign3A_21 = arith.extui %sign3A_20 : vector<256x256xi1> to vector<256x256xi32>
    %sign3A_22 = arith.constant 0 : i32
    %sign3A_23 = vector.broadcast %sign3A_22 : i32 to vector<256x256xi32>
    %sign3A_24 = arith.cmpi slt, %iota3A, %sign3A_23 : vector<256x256xi32>
    %sign3A_25 = arith.extui %sign3A_24 : vector<256x256xi1> to vector<256x256xi32>
    %sign3A_26 = arith.subi %sign3A_21, %sign3A_25 : vector<256x256xi32>
    %sign3A_27 = arith.constant 0 : i32
    %sign3A_28 = arith.cmpi sgt, %jit3A_17, %sign3A_27 : i32
    %sign3A_29 = arith.extui %sign3A_28 : i1 to i32
    %sign3A_30 = arith.constant 0 : i32
    %sign3A_31 = arith.cmpi slt, %jit3A_17, %sign3A_30 : i32
    %sign3A_32 = arith.extui %sign3A_31 : i1 to i32
    %sign3A_33 = arith.subi %sign3A_29, %sign3A_32 : i32
    %ne3A_34 = vector.broadcast %sign3A_33 : i32 to vector<256x256xi32>
    %ne3A_35 = arith.cmpi ne, %sign3A_26, %ne3A_34 : vector<256x256xi32>
    %rem3A_36 = vector.broadcast %jit3A_17 : i32 to vector<256x256xi32>
    %rem3A_37 = arith.remsi %iota3A, %rem3A_36 : vector<256x256xi32>
    %ne3A_38 = arith.constant 0 : i32
    %ne3A_39 = vector.broadcast %ne3A_38 : i32 to vector<256x256xi32>
    %ne3A_40 = arith.cmpi ne, %rem3A_37, %ne3A_39 : vector<256x256xi32>
    %and3A_41 = arith.andi %ne3A_35, %ne3A_40 : vector<256x256xi1>
    %sub3A = arith.constant 1 : i32
    %sub3A_42 = vector.broadcast %sub3A : i32 to vector<256x256xi32>
    %sub3A_43 = arith.subi %div3A_18, %sub3A_42 : vector<256x256xi32>
    %select_n3A_44 = arith.select %and3A_41, %sub3A_43, %div3A_18 : vector<256x256xi1>, vector<256x256xi32>
    %add3A_45 = arith.addi %mul3A_16, %select_n3A_44 : vector<256x256xi32>
    %le3A = arith.cmpi sle, %add3A_45, %iota3A_0 : vector<256x256xi32>
    %convert_element_type3A = arith.extui %le3A : vector<256x256xi1> to vector<256x256xi32>
    %convert_element_type3A_46 = arith.sitofp %convert_element_type3A : vector<256x256xi32> to vector<256x256xf32>
    %lt3A_47 = arith.cmpi slt, %add3A_45, %iota3A_0 : vector<256x256xi32>
    %convert_element_type3A_48 = arith.extui %lt3A_47 : vector<256x256xi1> to vector<256x256xi32>
    %convert_element_type3A_49 = arith.sitofp %convert_element_type3A_48 : vector<256x256xi32> to vector<256x256xf32>
    %get3A = arith.constant 0 : index
    %get3A_50 = arith.constant 0 : index
    %get3A_51 = arith.constant 0 : index
    %get3A_52 = vector.load %arg1[%get3A, %get3A_50, %get3A_51] : memref<1x256x64xi32, #tpu.memory_space<vmem>>, vector<1x256x64xi32>
    %get3A_53 = vector.shape_cast %get3A_52 : vector<1x256x64xi32> to vector<256x64xi32>
    %shift_right_arithmetic3A = arith.constant 0 : i32
    %shift_right_arithmetic3A_54 = vector.broadcast %shift_right_arithmetic3A : i32 to vector<256x64xi32>
    %shift_right_arithmetic3A_55 = arith.shrsi %get3A_53, %shift_right_arithmetic3A_54 : vector<256x64xi32>
    %and3A_56 = arith.constant 255 : i32
    %and3A_57 = vector.broadcast %and3A_56 : i32 to vector<256x64xi32>
    %and3A_58 = arith.andi %shift_right_arithmetic3A_55, %and3A_57 : vector<256x64xi32>
    %convert_element_type3A_59 = arith.sitofp %and3A_58 : vector<256x64xi32> to vector<256x64xf32>
    %shift_right_arithmetic3A_60 = arith.constant 8 : i32
    %shift_right_arithmetic3A_61 = vector.broadcast %shift_right_arithmetic3A_60 : i32 to vector<256x64xi32>
    %shift_right_arithmetic3A_62 = arith.shrsi %get3A_53, %shift_right_arithmetic3A_61 : vector<256x64xi32>
    %and3A_63 = arith.constant 255 : i32
    %and3A_64 = vector.broadcast %and3A_63 : i32 to vector<256x64xi32>
    %and3A_65 = arith.andi %shift_right_arithmetic3A_62, %and3A_64 : vector<256x64xi32>
    %convert_element_type3A_66 = arith.sitofp %and3A_65 : vector<256x64xi32> to vector<256x64xf32>
    %shift_right_arithmetic3A_67 = arith.constant 16 : i32
    %shift_right_arithmetic3A_68 = vector.broadcast %shift_right_arithmetic3A_67 : i32 to vector<256x64xi32>
    %shift_right_arithmetic3A_69 = arith.shrsi %get3A_53, %shift_right_arithmetic3A_68 : vector<256x64xi32>
    %and3A_70 = arith.constant 255 : i32
    %and3A_71 = vector.broadcast %and3A_70 : i32 to vector<256x64xi32>
    %and3A_72 = arith.andi %shift_right_arithmetic3A_69, %and3A_71 : vector<256x64xi32>
    %convert_element_type3A_73 = arith.sitofp %and3A_72 : vector<256x64xi32> to vector<256x64xf32>
    %shift_right_arithmetic3A_74 = arith.constant 24 : i32
    %shift_right_arithmetic3A_75 = vector.broadcast %shift_right_arithmetic3A_74 : i32 to vector<256x64xi32>
    %shift_right_arithmetic3A_76 = arith.shrsi %get3A_53, %shift_right_arithmetic3A_75 : vector<256x64xi32>
    %and3A_77 = arith.constant 255 : i32
    %and3A_78 = vector.broadcast %and3A_77 : i32 to vector<256x64xi32>
    %and3A_79 = arith.andi %shift_right_arithmetic3A_76, %and3A_78 : vector<256x64xi32>
    %convert_element_type3A_80 = arith.sitofp %and3A_79 : vector<256x64xi32> to vector<256x64xf32>
    %concatenate3A = tpu.concatenate %convert_element_type3A_59, %convert_element_type3A_66, %convert_element_type3A_73, %convert_element_type3A_80 in 1 : vector<256x64xf32>, vector<256x64xf32>, vector<256x64xf32>, vector<256x64xf32> -> vector<256x256xf32>
    %dot_general3A = arith.constant dense<0.000000e+00> : vector<256x256xf32>
    %dot_general3A_81 = tpu.matmul %concatenate3A, %convert_element_type3A_46, %dot_general3A {dimension_numbers = #tpu.dot_dimension_numbers<[1], [0], [0], [1], [0, 0, 1, 1], [], []>, transpose_lhs_hint = false} : vector<256x256xf32>, vector<256x256xf32>, vector<256x256xf32> -> vector<256x256xf32>
    %dot_general3A_82 = arith.constant dense<0.000000e+00> : vector<256x256xf32>
    %dot_general3A_83 = tpu.matmul %concatenate3A, %convert_element_type3A_49, %dot_general3A_82 {dimension_numbers = #tpu.dot_dimension_numbers<[1], [0], [0], [1], [0, 0, 1, 1], [], []>, transpose_lhs_hint = false} : vector<256x256xf32>, vector<256x256xf32>, vector<256x256xf32> -> vector<256x256xf32>
    %slice3A = vector.extract_strided_slice %dot_general3A_81 {offsets = [0, 255], sizes = [256, 1], strides = [1, 1]} : vector<256x256xf32> to vector<256x1xf32>
    %sub3A_84 = arith.constant 1.000000e+00 : f32
    %sub3A_85 = vector.broadcast %sub3A_84 : f32 to vector<256x1xf32>
    %sub3A_86 = arith.subf %slice3A, %sub3A_85 : vector<256x1xf32>
    %mul3A_87 = arith.constant 5.000000e-01 : f32
    %mul3A_88 = vector.broadcast %mul3A_87 : f32 to vector<256x1xf32>
    %mul3A_89 = arith.mulf %slice3A, %mul3A_88 : vector<256x1xf32>
    %floor3A = math.floor %mul3A_89 : vector<256x1xf32>
    %mul3A_90 = arith.constant 2.000000e+00 : f32
    %mul3A_91 = vector.broadcast %mul3A_90 : f32 to vector<256x1xf32>
    %mul3A_92 = arith.mulf %mul3A_91, %floor3A : vector<256x1xf32>
    %sub3A_93 = arith.subf %slice3A, %mul3A_92 : vector<256x1xf32>
    %sub3A_94 = arith.subf %sub3A_86, %sub3A_93 : vector<256x1xf32>
    %mul3A_95 = arith.constant 5.000000e-01 : f32
    %mul3A_96 = vector.broadcast %mul3A_95 : f32 to vector<256x256xf32>
    %mul3A_97 = arith.mulf %dot_general3A_83, %mul3A_96 : vector<256x256xf32>
    %floor3A_98 = math.floor %mul3A_97 : vector<256x256xf32>
    %mul3A_99 = arith.constant 2.000000e+00 : f32
    %mul3A_100 = vector.broadcast %mul3A_99 : f32 to vector<256x256xf32>
    %mul3A_101 = arith.mulf %mul3A_100, %floor3A_98 : vector<256x256xf32>
    %sub3A_102 = arith.subf %dot_general3A_83, %mul3A_101 : vector<256x256xf32>
    %min3A = vector.broadcast %sub3A_94 : vector<256x1xf32> to vector<256x256xf32>
    %min3A_103 = arith.minimumf %dot_general3A_81, %min3A : vector<256x256xf32>
    %gt3A = arith.cmpf ogt, %min3A_103, %dot_general3A_83 : vector<256x256xf32>
    %convert_element_type3A_104 = arith.extui %gt3A : vector<256x256xi1> to vector<256x256xi32>
    %convert_element_type3A_105 = arith.sitofp %convert_element_type3A_104 : vector<256x256xi32> to vector<256x256xf32>
    %eq3A_106 = arith.cmpf oeq, %min3A_103, %dot_general3A_83 : vector<256x256xf32>
    %convert_element_type3A_107 = arith.extui %eq3A_106 : vector<256x256xi1> to vector<256x256xi32>
    %convert_element_type3A_108 = arith.sitofp %convert_element_type3A_107 : vector<256x256xi32> to vector<256x256xf32>
    %mul3A_109 = arith.mulf %convert_element_type3A_108, %sub3A_102 : vector<256x256xf32>
    %add3A_110 = arith.addf %convert_element_type3A_105, %mul3A_109 : vector<256x256xf32>
    %get3A_111 = arith.constant 0 : index
    %get3A_112 = arith.constant 0 : index
    %get3A_113 = arith.constant 0 : index
    %get3A_114 = vector.load %arg2[%get3A_111, %get3A_112, %get3A_113] : memref<1x256x256xf32, #tpu.memory_space<vmem>>, vector<1x256x256xf32>
    %get3A_115 = vector.shape_cast %get3A_114 : vector<1x256x256xf32> to vector<256x256xf32>
    %mul3A_116 = arith.constant 2.550000e+02 : f32
    %mul3A_117 = vector.broadcast %mul3A_116 : f32 to vector<256x256xf32>
    %mul3A_118 = arith.mulf %get3A_115, %mul3A_117 : vector<256x256xf32>
    %le3A_119 = arith.constant 1.270000e+02 : f32
    %le3A_120 = vector.broadcast %le3A_119 : f32 to vector<256x256xf32>
    %le3A_121 = arith.cmpf ole, %mul3A_118, %le3A_120 : vector<256x256xf32>
    %convert_element_type3A_122 = arith.extui %le3A_121 : vector<256x256xi1> to vector<256x256xi32>
    %convert_element_type3A_123 = arith.sitofp %convert_element_type3A_122 : vector<256x256xi32> to vector<256x256xf32>
    %mul3A_124 = arith.mulf %add3A_110, %convert_element_type3A_123 : vector<256x256xf32>
    %reduce_sum3A = vector.shape_cast %mul3A_124 : vector<256x256xf32> to vector<1x256x256xf32>
    %reduce_sum3A_125 = arith.constant dense<0.000000e+00> : vector<1xf32>
    %reduce_sum3A_126 = vector.multi_reduction <add>, %reduce_sum3A, %reduce_sum3A_125 [1, 2] : vector<1x256x256xf32> to vector<1xf32>
    %reduce_sum3A_127 = vector.shape_cast %reduce_sum3A_126 : vector<1xf32> to vector<1x1x1xf32>
    %reduce_sum3A_128 = vector.extract %reduce_sum3A_127[0, 0, 0] : f32 from vector<1x1x1xf32>
    %reduce_sum3A_129 = vector.shape_cast %add3A_110 : vector<256x256xf32> to vector<1x256x256xf32>
    %reduce_sum3A_130 = arith.constant dense<0.000000e+00> : vector<1xf32>
    %reduce_sum3A_131 = vector.multi_reduction <add>, %reduce_sum3A_129, %reduce_sum3A_130 [1, 2] : vector<1x256x256xf32> to vector<1xf32>
    %reduce_sum3A_132 = vector.shape_cast %reduce_sum3A_131 : vector<1xf32> to vector<1x1x1xf32>
    %reduce_sum3A_133 = vector.extract %reduce_sum3A_132[0, 0, 0] : f32 from vector<1x1x1xf32>
    %reduce_sum3A_134 = vector.shape_cast %convert_element_type3A_123 : vector<256x256xf32> to vector<1x256x256xf32>
    %reduce_sum3A_135 = arith.constant dense<0.000000e+00> : vector<1xf32>
    %reduce_sum3A_136 = vector.multi_reduction <add>, %reduce_sum3A_134, %reduce_sum3A_135 [1, 2] : vector<1x256x256xf32> to vector<1xf32>
    %reduce_sum3A_137 = vector.shape_cast %reduce_sum3A_136 : vector<1xf32> to vector<1x1x1xf32>
    %reduce_sum3A_138 = vector.extract %reduce_sum3A_137[0, 0, 0] : f32 from vector<1x1x1xf32>
    %mul3A_139 = arith.constant 2.000000e+00 : f32
    %mul3A_140 = arith.mulf %mul3A_139, %reduce_sum3A_128 : f32
    %add3A_141 = arith.constant 9.99999997E-7 : f32
    %add3A_142 = arith.addf %mul3A_140, %add3A_141 : f32
    %add3A_143 = arith.addf %reduce_sum3A_133, %reduce_sum3A_138 : f32
    %add3A_144 = arith.constant 9.99999997E-7 : f32
    %add3A_145 = arith.addf %add3A_143, %add3A_144 : f32
    %div3A_146 = arith.divf %add3A_142, %add3A_145 : f32
    %sub3A_147 = arith.constant 1.000000e+00 : f32
    %sub3A_148 = arith.subf %sub3A_147, %div3A_146 : f32
    %eq3A_149 = arith.constant 0 : i32
    %eq3A_150 = arith.cmpi eq, %arg0, %eq3A_149 : i32
    %convert_element_type3A_151 = arith.extui %eq3A_150 : i1 to i32
    %cond3A = arith.constant 0 : i32
    %cond3A_152 = arith.cmpi ne, %convert_element_type3A_151, %cond3A : i32
    scf.if %cond3A_152 {
      %broadcast_in_dim3A = arith.constant 0.000000e+00 : f32
      %broadcast_in_dim3A_162 = vector.broadcast %broadcast_in_dim3A : f32 to vector<8x128xf32>
      %swap3A_163 = arith.constant 0 : index
      %swap3A_164 = arith.constant 0 : index
      %swap3A_165 = vector.load %arg3[%swap3A_163, %swap3A_164] : memref<8x128xf32, #tpu.memory_space<vmem>>, vector<8x128xf32>
      tpu.vector_store %arg3[%swap3A_163, %swap3A_164], %broadcast_in_dim3A_162 {strides = array<i32>} : memref<8x128xf32, #tpu.memory_space<vmem>>, vector<8x128xf32>,
    } else {
    }
    %get3A_153 = arith.constant 0 : index
    %get3A_154 = arith.constant 0 : index
    %get3A_155 = vector.load %arg3[%get3A_153, %get3A_154] : memref<8x128xf32, #tpu.memory_space<vmem>>, vector<8x128xf32>
    %mul3A_156 = arith.constant 1.562500e-02 : f32
    %mul3A_157 = arith.mulf %sub3A_148, %mul3A_156 : f32
    %add3A_158 = vector.broadcast %mul3A_157 : f32 to vector<8x128xf32>
    %add3A_159 = arith.addf %get3A_155, %add3A_158 : vector<8x128xf32>
    %swap3A = arith.constant 0 : index
    %swap3A_160 = arith.constant 0 : index
    %swap3A_161 = vector.load %arg3[%swap3A, %swap3A_160] : memref<8x128xf32, #tpu.memory_space<vmem>>, vector<8x128xf32>
    tpu.vector_store %arg3[%swap3A, %swap3A_160], %add3A_159 {strides = array<i32>} : memref<8x128xf32, #tpu.memory_space<vmem>>, vector<8x128xf32>,
    return
  }
  func.func @transform_0(%arg0: i32) -> (i32, i32, i32) {
    %c0_i32 = arith.constant 0 : i32
    %c0_i32_0 = arith.constant 0 : i32
    %c0_i32_1 = arith.constant 0 : i32
    return %arg0, %c0_i32, %c0_i32_0 : i32, i32, i32
  }
  func.func @transform_1(%arg0: i32) -> (i32, i32, i32) {
    %c0_i32 = arith.constant 0 : i32
    %c0_i32_0 = arith.constant 0 : i32
    %c0_i32_1 = arith.constant 0 : i32
    return %arg0, %c0_i32, %c0_i32_0 : i32, i32, i32
  }
  func.func @transform_2(%arg0: i32) -> (i32, i32) {
    %c0_i32 = arith.constant 0 : i32
    %c0_i32_0 = arith.constant 0 : i32
    %c0_i32_1 = arith.constant 0 : i32
    return %c0_i32, %c0_i32_0 : i32, i32
  }
}

</mosaic_0001>

<sc_bundles>
// kernel: _run.4.cloned.1.call-start
scs
__scs_entry_jumppad:
0x0: {  	(pc) =	sbr.rel $0x88, $3  }
0x1: {  	(tag) =	ssettag $0x0;
	lr =	simm.s32 $0x1  }
0x2: {  	[smem:$0x3F9F] =	sst lr;
	_ =	strace $0xD0000000  }
0x3: {  	_ = 	snop  }
0x4: {  	_ = 	snop  }
0x5: {  	_ = 	snop  }
0x6: {  	_ = 	snop  }
0x7: {  	_ = 	snop  }
__scs_overlays_trampoline_lowered:
0x8: {  	[smem:$0x3FAE] =	sst s0  }
0x9: {  	[smem:$0x3FAF] =	sst s1  }
0xa: {  	[smem:$0x3FB0] =	sst s2  }
0xb: {  	[smem:$0x3FB1] =	sst s3  }
0xc: {  	[smem:$0x3FB2] =	sst s4  }
0xd: {  	[smem:$0x3FB3] =	sst s5  }
0xe: {  	[smem:$0x3FB4] =	sst s6  }
0xf: {  	[smem:$0x3FB5] =	sst s7  }
0x10: {  	[smem:$0x3FB6] =	sst s8  }
0x11: {  	[smem:$0x3FB7] =	sst s9;
	s0 =	simm.s32 @!p0 $0x0  }
0x12: {  	s1 =	sld [smem:$0x3F9D];
	s0 =	simm.s32 @p0 $0x1  }
0x13: {  	[smem:$0x3FB8] =	sst s0;
	s0 =	simm.s32 @!p1 $0x0  }
0x14: {  	s2 =	sld [smem:$0x3F9C];
	s0 =	simm.s32 @p1 $0x1  }
0x15: {  	[smem:$0x3FB9] =	sst s0;
	s0 =	simm.s32 @!p2 $0x0  }
0x16: {  	s3 =	sld [smem:$0x3FDB];
	s0 =	simm.s32 @p2 $0x1  }
0x17: {  	s4 =	simm.s32 $0x1BF5;
	[smem:$0x3FBB] =	sst s0  }
0x18: {  	s0 =	sld [smem:$0x3F9E];
	_ =	swait.ge [sflag:s4], $0x0  }
0x19: {  	s7 =	sld [smem:$0x3F9F]  }
0x1a: {  	s8 =	sadd.s32 $0xFFFFE003, lr  }
0x1b: {  	s9 =	sadd.s32 $0xFFFFFEF7, lr;
	s5 =	simm.s32 $0xFFFFFFFF;
	p2 =	slt.u32 s8, $0xFFFFF086  }
0x1c: {  	p1 =	slt.u32 s9, $0xF7A;
	s5 =	simm.s32 @!p2 $0x0  }
0x1d: {  	s5 =	simm.s32 @p1 $0x1;
	p0 =	seq.s32 s7, s2  }
0x1e: {  	s7 =	smul.u32 @!p0 $0xF7A, s2;
	p2 =	seq.s32 @!p0 s5, $0x0  }
0x1f: {  	s9 =	smul.u32 $0xF7A, s1;
	s8 =	simm.s32 @!p0 $0x1BF5;
	p2 =	por !p2, p0  }
0x20: {  	[sflag:s8] =	ssyncset.s32 @!p0 $0xFFFFF086;
	s6 =	sadd.s32 @!p0 s3, s7;
	s7 =	simm.s32 @!p0 $0x108  }
0x21: {  	s3 =	sadd.s32 s3, s9;
	s6 =	sadd.s32 @!p0 $0x88, s6;
	s7 =	simm.s32 @p2 $0x1082  }
0x22: {  	[simem:s7], [sflag:s8] =	dma.local @!p0 [hbm:s6], $0xF7A  }
0x23: {  	s9 =	sor.u32 $0xD0000000, s2;
	s6 =	simm.s32 $0x108;
	_ =	swait.ge @!p0 [sflag:s8], $0x0  }
0x24: {  	s3 =	sadd.s32 $0x88, s3;
	s6 =	simm.s32 @!p1 $0x1082;
	[sflag:s4] =	ssyncset.s32 $0xFFFFF086  }
0x25: {  	[simem:s6], [sflag:s4] =	dma.local [hbm:s3], $0xF7A  }
0x26: {  	[smem:$0x3F9F] =	sst s1;
	(tag) =	ssettag s2;
	_ =	strace s9  }
0x27: {  	s1 =	sld [smem:$0x3FAF]  }
0x28: {  	s2 =	sld [smem:$0x3FB0]  }
0x29: {  	s4 =	sld [smem:$0x3FB2]  }
0x2a: {  	p0 =	seq.s32 s5, $0x0;
	s5 =	sld [smem:$0x3FB3]  }
0x2b: {  	s6 =	sld [smem:$0x3FB4]  }
0x2c: {  	s7 =	sld [smem:$0x3FB5]  }
0x2d: {  	s3 =	simm.s32 $0x108;
	s8 =	sld [smem:$0x3FB6]  }
0x2e: {  	s3 =	simm.s32 @!p0 $0x1082;
	s9 =	sld [smem:$0x3FB7]  }
0x2f: {  	lr =	sadd.s32 s0, s3;
	s0 =	sld [smem:$0x3FAE]  }
0x30: {  	s3 =	sld [smem:$0x3FB1]  }
0x31: {  	[smem:$0x3FBA] =	sst s10  }
0x32: {  	s10 =	sld [smem:$0x3FB8];
	_ =	sdelay $0x3  }
0x33: {  	p0 =	seq.s32 s10, $0x1;
	s10 =	sld [smem:$0x3FBA];
	_ =	sdelay $0x3  }
0x34: {  	[smem:$0x3FBA] =	sst s10  }
0x35: {  	s10 =	sld [smem:$0x3FB9];
	_ =	sdelay $0x3  }
0x36: {  	p1 =	seq.s32 s10, $0x1;
	s10 =	sld [smem:$0x3FBA];
	_ =	sdelay $0x3  }
0x37: {  	[smem:$0x3FBA] =	sst s10  }
0x38: {  	s10 =	sld [smem:$0x3FBB]  }
0x39: {  	_ = 	snop;
	(pc) =	sbr.ind lr, $3  }
0x3a: {  	_ = 	snop  }
0x3b: {  	_ = 	snop  }
0x3c: {  	p2 =	seq.s32 s10, $0x1;
	s10 =	sld [smem:$0x3FBA]  }
0x3d: {  	_ =	shalt  }
0x3e: {  	_ =	shalt  }
0x3f: {  	_ =	shalt  }
0x40: {  	_ =	shalt  }
0x41: {  	_ =	shalt  }
0x42: {  	_ =	shalt  }
0x43: {  	_ =	shalt  }
0x44: {  	_ =	shalt  }
0x45: {  	_ =	shalt  }
0x46: {  	_ =	shalt  }
0x47: {  	_ =	shalt  }
0x48: {  	_ =	shalt  }
0x49: {  	_ =	shalt  }
0x4a: {  	_ =	shalt  }
0x4b: {  	_ =	shalt  }
0x4c: {  	_ =	shalt  }
0x4d: {  	_ =	shalt  }
0x4e: {  	_ =	shalt  }
0x4f: {  	_ =	shalt  }
0x50: {  	_ =	shalt  }
0x51: {  	_ =	shalt  }
0x52: {  	_ =	shalt  }
0x53: {  	_ =	shalt  }
0x54: {  	_ =	shalt  }
0x55: {  	_ =	shalt  }
0x56: {  	_ =	shalt  }
0x57: {  	_ =	shalt  }
0x58: {  	_ =	shalt  }
0x59: {  	_ =	shalt  }
0x5a: {  	_ =	shalt  }
0x5b: {  	_ =	shalt  }
0x5c: {  	_ =	shalt  }
0x5d: {  	_ =	shalt  }
0x5e: {  	_ =	shalt  }
0x5f: {  	_ =	shalt  }
0x60: {  	_ =	shalt  }
0x61: {  	_ =	shalt  }
0x62: {  	_ =	shalt  }
0x63: {  	_ =	shalt  }
0x64: {  	_ =	shalt  }
0x65: {  	_ =	shalt  }
0x66: {  	_ =	shalt  }
0x67: {  	_ =	shalt  }
0x68: {  	_ =	shalt  }
0x69: {  	_ =	shalt  }
0x6a: {  	_ =	shalt  }
0x6b: {  	_ =	shalt  }
0x6c: {  	_ =	shalt  }
0x6d: {  	_ =	shalt  }
0x6e: {  	_ =	shalt  }
0x6f: {  	_ =	shalt  }
0x70: {  	_ =	shalt  }
0x71: {  	_ =	shalt  }
0x72: {  	_ =	shalt  }
0x73: {  	_ =	shalt  }
0x74: {  	_ =	shalt  }
0x75: {  	_ =	shalt  }
0x76: {  	_ =	shalt  }
0x77: {  	_ =	shalt  }
0x78: {  	_ =	shalt  }
0x79: {  	_ =	shalt  }
0x7a: {  	_ =	shalt  }
0x7b: {  	_ =	shalt  }
0x7c: {  	_ =	shalt  }
0x7d: {  	_ =	shalt  }
0x7e: {  	_ =	shalt  }
0x7f: {  	_ =	shalt  }
0x80: {  	_ =	shalt  }
0x81: {  	_ =	shalt  }
0x82: {  	_ =	shalt  }
0x83: {  	_ =	shalt  }
0x84: {  	_ =	shalt  }
0x85: {  	_ =	shalt  }
0x86: {  	_ =	shalt  }
0x87: {  	_ =	shalt  }
.Lfunc_end0:
.L_simem_size_0:
called_computation_lowered:
.L_overlay_start_0:
0x88: {  	s2 =	sld [smem:$0x3FD9]  }
0x89: {  	s3 =	sld [smem:$0x3FFE];
	_ =	sdelay $0x1  }
0x8a: {  	s1 =	srdreg.scid  }
0x8b: {  	s0 =	sand.u32 $0x1, s1  }
0x8c: {  	s16 =	sshll.u32 s0, $0xA;
	s2 =	sadd.s32 s3, s2  }
0x8d: {  	s2 =	sadd.s32 s2, s16  }
0x8e: {  	[smem:$0x3FC6] =	sst s2  }
0x8f: {  	_ = 	snop  }
0x90: {  	(tm) =	ssettm $0x1  }
0x91: {  	s17 =	sld [smem:$0x3FFB];
	_ =	sdelay $0x3  }
0x92: {  	_ =	strace s17  }
0x93: {  	s2 =	sld [smem:$0x3FFC];
	_ =	sdelay $0x3  }
0x94: {  	_ =	strace s2  }
0x95: {  	s2 =	sld [smem:$0x3FFD];
	_ =	sdelay $0x3  }
0x96: {  	_ =	strace s2  }
0x97: {  	_ =	strace $0x8FFFFFFF  }
0x98: {  	s18 =	sld [smem:$0x3FDB];
	_ =	sdelay $0x1  }
0x99: {  	s19 =	simm.s32 $_scs_section_size  }
0x9a: {  	s4 =	simm.s32 $_size__tile_overlayer_lowered;
	s5 =	simm.s32 $_tile_overlayer_lowered  }
0x9b: {  	s22 =	simm.s32 $0x1BFF;
	s21 =	sshll.u32 s5, $0x1;
	s2 =	sadd.s32 s19, s18  }
0x9c: {  	s6 =	simm.s32 $0x0;
	s20 =	sshll.u32 s4, $0x1;
	s4 =	sadd.s32 s21, s2  }
0x9d: {  	[timem:s6], [sflag:s22] =	dma.local [hbm:s4], s20  }
0x9e: {  	_ =	swait.ge [sflag:s22], s20  }
0x9f: {  	s3 =	ssub.s32 $0x0, s20;
	[sflag:s22] =	ssyncset.done $0x0  }
0xa0: {  	[sflag:s22] =	ssyncadd.s32 s3;
	_ =	sdelay $0x1  }
0xa1: {  	s23 =	simm.s32 $0x1B8B  }
0xa2: {  	_ =	swait.ge [sflag:s23], $0x1  }
0xa3: {  	[sflag:s23] =	ssyncset.done $0x0  }
0xa4: {  	s25 =	simm.s32 $0x1B8E;
	s24 =	sld [smem:$0x3FFE];
	[sflag:s23] =	ssyncadd.s32 $0xFFFFFFFF  }
0xa5: {  	s26 =	simm.s32 $execute0_lowered;
	[smem:$0x3FD2] =	sst s25  }
0xa6: {  	s4 =	sshll.u32 s26, $0x1;
	_ =	strace $0x80000046;
	[dreg:$0x1] =	wrdreg $0xFFFFFFFF  }
0xa7: {  	s28 =	simm.s32 $_size_execute0_lowered;
	s2 =	sadd.s32 s2, s4;
	[dreg:$0x0] =	wrdreg $0x0  }
0xa8: {  	s4 =	sshll.u32 s28, $0x1;
	[dreg:$0x2] =	wrdreg s2  }
0xa9: {  	[dreg:$0x3] =	wrdreg s4  }
0xaa: {  	[dreg:$0x4] =	wrdreg $0xC0  }
0xab: {  	_ =	task [dreg:s6], $0x5FFFF  }
0xac: {  	[dreg:$0x1] =	wrdreg $0xFFFFFFFF  }
0xad: {  	[dreg:$0x0] =	wrdreg $0x60  }
0xae: {  	[dreg:$0x2] =	wrdreg s24  }
0xaf: {  	[dreg:$0x3] =	wrdreg $0x9  }
0xb0: {  	_ =	task.clear_ibuf [dreg:s6], $0x4FFFF;
	_ =	strace $0x90000046  }
0xb1: {  	s29 =	simm.s32 $0x9;
	_ =	strace $0x80000048  }
0xb2: {  	_ =	swait.ge [sflag:s29], $0x1  }
0xb3: {  	[sflag:s29] =	ssyncadd.s32 $0xFFFFFFFF  }
0xb4: {  	_ =	strace $0x90000048  }
0xb5: {  	_ =	sfence  }
0xb6: {  	s30 =	sld [smem:$0x0];
	_ =	sdelay $0x2  }
0xb7: {  	s31 =	sshll.u32 s1, $0xD;
	s1 =	sshrl.u32 s1, $0x2  }
0xb8: {  	s3 =	sand.u32 $0x4000, s31;
	s1 =	sadd.s32 s1, s30  }
0xb9: {  	s0 =	sor.u32 s3, s0;
	s1 =	sshll.u32 s1, $0x11  }
0xba: {  	s0 =	sor.u32 s1, s0  }
0xbb: {  	s0 =	sadd.s32 $0x8F2B, s0  }
0xbc: {  	[sflag:s0] =	ssyncadd.remote.s32 $0x1  }
0xbd: {  	_ =	sfence.sel $0xFFFF  }
0xbe: {  	[dreg:$0x0] =	wrdreg $0xFFFFFFFF;
	(pc) =	sbr.abs _section_cstart, $3  }
0xbf: {  	[dreg:$0x1] =	wrdreg $0xFFFFFFFF  }
0xc0: {  	_ =	task.clear_ibuf [dreg:s6], $0x2FFFF;
	_ =	strace $0x9FFFFFFF  }
0xc1: {  	(tm) =	ssettm $0x7FFFFFFF  }
tec
execute0_lowered:
.L_overlay_start_1:
0x0: {  	(tag) =	ssettag $0x1  }
0x1: {  	v0 =	vimm.f32 $1.500000000e+01;
	vm0 =	vcmask $0x300  }
0x2: {  	vm14 =	vcmask $0x704;
	v0 =	vsel vm0, $0x0, v0  }
0x3: {  	vm15 =	vcmask $0xB08;
	v0 =	vsel vm14, $0x3F800000, v0  }
0x4: {  	vm4 =	vcmask $0xF0C;
	v0 =	vsel vm15, $0x40000000, v0  }
0x5: {  	vm5 =	vcmask $0x1310;
	v0 =	vsel vm4, $0x40400000, v0  }
0x6: {  	vm6 =	vcmask $0x1714;
	v0 =	vsel vm5, $0x40800000, v0  }
0x7: {  	vm7 =	vcmask $0x1B18;
	v0 =	vsel vm6, $0x40A00000, v0  }
0x8: {  	vm8 =	vcmask $0x1F1C;
	v0 =	vsel vm7, $0x40C00000, v0  }
0x9: {  	s5 =	rddreg [dreg:$0x0];
	vm9 =	vcmask $0x2320;
	v0 =	vsel vm8, $0x40E00000, v0  }
0xa: {  	s0 =	rddreg [dreg:$0x1];
	s1 =	simm.s32 $0x0;
	vm10 =	vcmask $0x2724;
	v0 =	vsel vm9, $0x41000000, v0  }
0xb: {  	s2 =	srdreg.scid;
	vm11 =	vcmask $0x2B28;
	s3 =	stileid.u32;
	s9 =	simm.s32 $0x1000;
	v0 =	vsel vm10, $0x41100000, v0  }
0xc: {  	vm12 =	vcmask $0x2F2C;
	s10 =	simm.s32 $0x3;
	s11 =	simm.s32 $0x2200;
	s12 =	simm.s32 $0x2;
	v0 =	vsel vm11, $0x41200000, v0  }
0xd: {  	vm13 =	vcmask $0x3330;
	s13 =	simm.s32 $0x0;
	[smem:$0x7FF] =	sst s1;
	s6 =	sand.u32 $0x1, s2;
	v0 =	vsel vm12, $0x41300000, v0  }
0xe: {  	v1 =	vlaneseq.u32;
	s2 =	sadd.s32 $0x800, s5;
	s4 =	sadd.s32 $0x400, s5;
	s7 =	ssub.s32 $0x2, s6;
	vm14 =	vcmask $0x3734;
	v0 =	vsel vm13, $0x41400000, v0  }
0xf: {  	s31 =	sshll.u32 s3, $0x4;
	s5 =	sadd.s32 $0x8800, s5;
	s8 =	sshrl.u32 s7, $0x1;
	vm15 =	vcmask $0x3B38;
	v2 =	vsel vm14, $0x41500000, v0;
	v0 =	vmul.u32 $0x48, v1  }
0x10: {  	_ =	strace $0x80000047;
	s6 =	sshll.u32 s6, $0x3;
	s7 =	ssub.s32 s7, s8;
	v1 =	vsel vm15, $0x41600000, v2;
	v2 =	vimm.s32 $0x1  }
0x11: {  	s6 =	sor.u32 s6, s31;
	s8 =	simm.s32 $0x1;
	s7 =	smax.u32 s7, $0x1;
	v3 =	vadd.s32 $0x480, v0;
	v4 =	vadd.s32 $0x900, v0;
	v5 =	vadd.s32 $0xD80, v0  }
.LBB2_1:
0x12: {  	s14 =	simm.s32 $0x0  }
.LBB2_2:
0x13: {  	s15 =	sshll.u32 s14, $0x1  }
0x14: {  	s29 =	sand.u32 $0x1, s14;
	s16 =	sor.u32 s6, s15  }
0x15: {  	p1 =	seq.s32 s29, $0x1;
	p0 =	seq.s32 s16, $0x0  }
0x16: {  	p0 =	por !p0, !p1  }
0x17: {  	s17 =	simm.s32 $0x1;
	p0 =	por !p0, !p0  }
0x18: {  	s15 =	sshrl.u32 s16, $0x2;
	s17 =	simm.s32 @!p0 $0x0  }
0x19: {  	p0 =	seq.s32 s14, $0x0;
	s17 =	ssub.s32 s15, s17  }
0x1a: {  	s19 =	simm.s32 @!p0 $0x1;
	s18 =	sshll.u32 s17, $0x2  }
0x1b: {  	_ =	swait.ge @!p0 [sflag:s19], $0x1000;
	p1 =	sne.s32 s16, s18  }
0x1c: {  	[sflag:s19] =	ssyncset.done @!p0 $0x0;
	s20 =	sshll.u32 @!p1 s17, $0x9  }
0x1d: {  	s18 =	ssub.s32 s16, s18;
	[sflag:s19] =	ssyncadd.s32 @!p0 $0xFFFFF000;
	s20 =	sand.u32 @!p1 $0x1FFFFE00, s20  }
0x1e: {  	s30 =	sshll.u32 s18, $0x6;
	s19 =	sadd.s32 @!p1 s2, s20;
	s20 =	simm.s32 @!p1 $0x0  }
0x1f: {  	[tilespmem:s20], [sflag:$0x3] =	stream.linear.gather @!p1 [hbm4b:s19+s20], $0x1000, $0x38;
	[tilespmem:$0x3400] =	vst v63  }
0x20: {  	s31 =	scvt.s32.f32 s30;
	s19 =	simm.s32 @!p1 $0x3  }
0x21: {  	_ =	swait.ge @!p1 [sflag:s19], $0x1000  }
0x22: {  	s20 =	sadd.f32 $1.600000000e+01, s31;
	[sflag:s19] =	ssyncset.done @!p1 $0x0  }
0x23: {  	s21 =	sadd.f32 $3.200000000e+01, s31;
	[sflag:s19] =	ssyncadd.s32 @!p1 $0xFFFFF000  }
0x24: {  	[tilespmem:s9], [sflag:$0x3] =	stream.linear.gather [hbm4b:s4+s1], $0x1200, $0x38;
	[tilespmem:$0x3400] =	vst v63  }
0x25: {  	s22 =	sadd.f32 $4.800000000e+01, s31;
	_ =	swait.ge [sflag:s10], $0x1200  }
0x26: {  	v6 =	vadd.f32 s31, v1;
	v7 =	vadd.f32 s20, v1;
	[sflag:s10] =	ssyncset.done $0x0  }
0x27: {  	v8 =	vadd.f32 s21, v1;
	v9 =	vadd.f32 s22, v1;
	s20 =	simm.s32 $0x800;
	s19 =	simm.s32 $0xFFFFFFFC;
	[sflag:s10] =	ssyncadd.s32 $0xFFFFEE00  }
.LBB2_3:
0x28: {  	v10 =	vld [tilespmem:s20+$0xFFFFFC00]  }
0x29: {  	v11 =	vld [tilespmem:s20+$0x400];
	_ =	sdelay $0x4  }
0x2a: {  	v10 =	vmul.f32 $2.550000000e+02, v10;
	v11 =	vmul.f32 $2.550000000e+02, v11;
	_ =	sdelay $0x1  }
0x2b: {  	v13 =	vld [tilespmem:s20+$0xFFFFF800];
	v10 =	vmax.f32 v10, $0.0e+00;
	v11 =	vmax.f32 v11, $0.0e+00  }
0x2c: {  	v18 =	vld [tilespmem:s20+$0x410];
	v10 =	vmin.f32 v10, $2.550000000e+02;
	v11 =	vmin.f32 v11, $2.550000000e+02  }
0x2d: {  	v12 =	vsub.f32 v11, v10  }
0x2e: {  	v22 =	vld [tilespmem:s20+$0x420]  }
0x2f: {  	v34 =	vld [tilespmem:s20+$0x430];
	vm0 =	veq.f32 v12, $0.0e+00  }
0x30: {  	v13 =	vmul.f32 $2.550000000e+02, v13;
	v12 =	vsel vm0, $0x3F800000, v12  }
0x31: {  	v18 =	vmul.f32 $2.550000000e+02, v18;
	(erf) = vrcp.f32 v12  }
0x32: {  	v26 =	vld [tilespmem:s20+$0x0];
	v21 =	vimm.s32 $0x0  }
0x33: {  	v32 =	vld [tilespmem:s20+$0xFFFFFC20];
	v33 =	vmul.f32 $2.550000000e+02, v22;
	v13 =	vmax.f32 v13, $0.0e+00;
	v18 =	vmax.f32 v18, $0.0e+00  }
0x34: {  	v36 =	vmul.f32 $2.550000000e+02, v34;
	v15 =	vmin.f32 v13, $2.550000000e+02;
	v18 =	vmin.f32 v18, $2.550000000e+02  }
0x35: {  	v14 =	vsub.f32 v6, v10;
	vm10 =	vlt.f32 v10, v6;
	vm1 =	vlt.f32 v11, v6  }
0x36: {  	vm11 =	vlt.f32 v10, v7;
	vm2 =	vlt.f32 v11, v7;
	vm3 =	vlt.f32 v10, v8  }
0x37: {  	vm4 =	vlt.f32 v11, v8;
	vm12 =	vlt.f32 v10, v9;
	v12 =	vmul.f32 $2.550000000e+02, v26  }
0x38: {  	vm5 =	vlt.f32 v11, v9;
	vm7 =	vlt.f32 v18, v6;
	v11 =	vmul.f32 $2.550000000e+02, v32  }
0x39: {  	vm15 =	vlt.f32 v18, v7;
	vm9 =	vlt.f32 v18, v8;
	v26 =	vld [tilespmem:s20+$0x10];
	v12 =	vmax.f32 v12, $0.0e+00  }
0x3a: {  	vm2 =	vmxor vm11, vm2;
	v11 =	vmax.f32 v11, $0.0e+00;
	v12 =	vmin.f32 v12, $2.550000000e+02;
	v27 =	vpop (erf)  }
0x3b: {  	vm0 =	vmxor vm10, vm1;
	v16 =	vsub.f32 v12, v15;
	v28 =	vmul.f32 v27, v14  }
0x3c: {  	v30 =	vld [tilespmem:s20+$0xFFFFFC10];
	vm1 =	vmxor vm3, vm4;
	vm4 =	vmxor vm12, vm5;
	v17 =	vmul.f32 $1.600000000e+01, v27  }
0x3d: {  	v35 =	vmin.f32 v11, $2.550000000e+02;
	vm12 =	vlt.f32 v18, v9;
	v14 =	vmul.f32 v28, v16  }
0x3e: {  	v21 =	vsel vm0, $0xFFFFFFFF, v21;
	v41 =	vmul.f32 $2.550000000e+02, v26;
	v12 =	vadd.f32 v17, v28;
	v28 =	vld [tilespmem:s20+$0xFFFFF820]  }
0x3f: {  	vm10 =	vlt.f32 v35, v6;
	v22 =	vsub.f32 v6, v35;
	v14 =	vadd.f32 v14, v15  }
0x40: {  	v44 =	vmax.f32 v41, $0.0e+00;
	v31 =	vmul.f32 v12, v16;
	v12 =	vadd.f32 v12, v17  }
0x41: {  	v45 =	vmin.f32 v44, $2.550000000e+02;
	v29 =	vmax.f32 v14, $0.0e+00;
	v14 =	vmul.f32 $2.550000000e+02, v30  }
0x42: {  	v25 =	vmul.f32 v12, v16;
	v17 =	vadd.f32 v12, v17;
	v13 =	vmin.f32 v29, $2.550000000e+02  }
0x43: {  	v28 =	vmul.f32 $2.550000000e+02, v28;
	v13 =	vtrunc.f32 v13;
	v14 =	vmax.f32 v14, $0.0e+00  }
0x44: {  	v40 =	vadd.f32 v25, v15;
	v16 =	vmul.f32 v17, v16;
	v19 =	vcvt.f32.s32 v13  }
0x45: {  	v13 =	vadd.f32 v31, v15;
	v14 =	vmin.f32 v14, $2.550000000e+02;
	v57 =	vmax.f32 v28, $0.0e+00  }
0x46: {  	v23 =	vsub.f32 v18, v14;
	vm6 =	vlt.f32 v14, v6;
	vm14 =	vlt.f32 v14, v7  }
0x47: {  	vm8 =	vlt.f32 v14, v8;
	vm0 =	vlt.f32 v14, v9;
	v18 =	vmax.f32 v36, $0.0e+00  }
0x48: {  	v29 =	vld [tilespmem:s20+$0x20];
	v14 =	vsub.f32 v6, v14;
	v15 =	vadd.f32 v16, v15;
	v59 =	vmin.f32 v57, $2.550000000e+02  }
0x49: {  	v38 =	vld [tilespmem:s20+$0xFFFFF810];
	v20 =	vshll.u32 v19, $0x3;
	v13 =	vmax.f32 v13, $0.0e+00;
	vm3 =	vmxor vm6, vm7  }
0x4a: {  	vm7 =	vmxor vm14, vm15;
	vm5 =	vmxor vm8, vm9;
	vm8 =	vmxor vm0, vm12  }
0x4b: {  	vm14 =	vlt.f32 v35, v7;
	vm9 =	vlt.f32 v35, v8;
	vm12 =	vlt.f32 v35, v9  }
0x4c: {  	v20 =	vand.u32 $0x18, v20;
	v13 =	vmin.f32 v13, $2.550000000e+02;
	vm13 =	veq.f32 v23, $0.0e+00  }
0x4d: {  	v15 =	vmax.f32 v15, $0.0e+00;
	v29 =	vmul.f32 $2.550000000e+02, v29;
	v13 =	vtrunc.f32 v13  }
0x4e: {  	v10 =	vsel vm13, $0x3F800000, v23;
	v23 =	vmul.f32 $2.550000000e+02, v38;
	v15 =	vmin.f32 v15, $2.550000000e+02  }
0x4f: {  	v24 =	vcvt.f32.s32 v13;
	(erf) = vrcp.f32 v10;
	v13 =	vmax.f32 v33, $0.0e+00  }
0x50: {  	v15 =	vtrunc.f32 v15;
	v58 =	vmax.f32 v29, $0.0e+00;
	v11 =	vmin.f32 v13, $2.550000000e+02  }
0x51: {  	v43 =	vmax.f32 v23, $0.0e+00;
	v53 =	vcvt.f32.s32 v15;
	v60 =	vmin.f32 v58, $2.550000000e+02  }
0x52: {  	v10 =	vld [tilespmem:s20+$0xFFFFFC30];
	v13 =	vsub.f32 v11, v35;
	vm11 =	vlt.f32 v11, v6;
	vm15 =	vlt.f32 v11, v7  }
0x53: {  	vm0 =	vlt.f32 v11, v8;
	v39 =	vshll.u32 v24, $0x3;
	v24 =	vshrl.u32 v24, $0x2  }
0x54: {  	v33 =	vld [tilespmem:s20+$0xFFFFF830];
	v17 =	vmin.f32 v43, $2.550000000e+02;
	vm6 =	vmxor vm10, vm11;
	vm10 =	vmxor vm14, vm15  }
0x55: {  	vm15 =	vmxor vm9, vm0;
	v47 =	vsub.f32 v45, v17;
	v25 =	vshll.u32 v53, $0x3  }
0x56: {  	v54 =	vshrl.u32 v53, $0x2;
	vm13 =	veq.f32 v13, $0.0e+00;
	v25 =	vand.u32 $0x18, v25  }
0x57: {  	v10 =	vmul.f32 $2.550000000e+02, v10;
	v37 =	vsel vm13, $0x3F800000, v13;
	vm13 =	vlt.f32 v11, v9  }
0x58: {  	[tilespmem:$0x1FFF0] =	vst v21;
	v11 =	vshrl.u32 v19, $0x2;
	v19 =	vand.u32 $0x18, v39;
	v21 =	vshll.u32 v2, v25  }
0x59: {  	v45 =	vmul.f32 $2.550000000e+02, v33;
	vm9 =	vmxor vm12, vm13;
	v10 =	vmax.f32 v10, $0.0e+00  }
0x5a: {  	v11 =	vadd.s32 v0, v11;
	v13 =	vmin.f32 v10, $2.550000000e+02;
	v10 =	vmin.f32 v18, $2.550000000e+02  }
0x5b: {  	v12 =	vshll.u32 v2, v19;
	v18 =	vsub.f32 v10, v13;
	vm11 =	vlt.f32 v13, v6  }
0x5c: {  	vm0 =	vlt.f32 v10, v6;
	vm12 =	vlt.f32 v13, v9;
	v46 =	vpop (erf);
	(erf) = vrcp.f32 v37  }
0x5d: {  	vm13 =	vmxor vm11, vm0;
	vm11 =	vlt.f32 v13, v7;
	vm14 =	veq.f32 v18, $0.0e+00  }
0x5e: {  	v34 =	vld [tilespmem:s20+$0x30];
	vm0 =	vlt.f32 v10, v7;
	v48 =	vmul.f32 v46, v14;
	v18 =	vsel vm14, $0x3F800000, v18  }
0x5f: {  	v38 =	vld [tilespmem:$0x1FFF0];
	vm14 =	vmxor vm11, vm0;
	vm11 =	vlt.f32 v13, v8;
	vm0 =	vlt.f32 v10, v8  }
0x60: {  	v14 =	vadd.s32 v3, v24;
	v49 =	vmul.f32 v48, v47;
	vm11 =	vmxor vm11, vm0  }
0x61: {  	vm0 =	vlt.f32 v10, v9;
	v10 =	vshll.u32 v2, v20;
	v20 =	vmax.f32 v40, $0.0e+00  }
0x62: {  	v13 =	vsub.f32 v6, v13;
	v42 =	vmin.f32 v20, $2.550000000e+02;
	v20 =	vmul.f32 $1.600000000e+01, v46  }
0x63: {  	v24 =	vadd.f32 v49, v17;
	v46 =	vmul.f32 $2.550000000e+02, v34;
	v19 =	vtrunc.f32 v42  }
0x64: {  	vm12 =	vmxor vm12, vm0;
	vm0 =	vnez.u8 v38;
	v19 =	vcvt.f32.s32 v19  }
0x65: {  	v51 =	vadd.f32 v20, v48;
	v24 =	vmax.f32 v24, $0.0e+00;
	v48 =	vmax.f32 v46, $0.0e+00  }
0x66: {  	v24 =	vmin.f32 v24, $2.550000000e+02;
	v50 =	vshll.u32 v19, $0x3;
	v19 =	vshrl.u32 v19, $0x2  }
0x67: {  	v27 =	vmul.f32 v51, v47;
	v24 =	vtrunc.f32 v24;
	v26 =	vadd.f32 v51, v20  }
0x68: {  	v61 =	vpop (erf);
	(erf) = vrcp.f32 v18;
	v52 =	vand.u32 $0x18, v50;
	v16 =	vadd.s32 v4, v19  }
0x69: {  	v24 =	vcvt.f32.s32 v24;
	v19 =	vadd.s32 v5, v54;
	v22 =	vmul.f32 v61, v22  }
0x6a: {  	v62 =	vmul.f32 $1.600000000e+01, v61;
	v50 =	vmin.f32 v48, $2.550000000e+02;
	v15 =	vshll.u32 v2, v52  }
0x6b: {  	v27 =	vadd.f32 v27, v17;
	v56 =	vmul.f32 v26, v47;
	v20 =	vadd.f32 v26, v20  }
0x6c: {  	v26 =	vsub.f32 v60, v59;
	v30 =	vshrl.u32 v24, $0x2;
	v24 =	vshll.u32 v24, $0x3  }
0x6d: {  	v27 =	vmax.f32 v27, $0.0e+00;
	v24 =	vand.u32 $0x18, v24;
	v30 =	vadd.s32 v0, v30  }
0x6e: {  	v20 =	vmul.f32 v20, v47;
	v40 =	vmul.f32 v22, v26;
	v22 =	vadd.f32 v62, v22  }
0x6f: {  	v55 =	vmin.f32 v27, $2.550000000e+02;
	v27 =	vadd.f32 v56, v17;
	v24 =	vshll.u32 v2, v24  }
0x70: {  	v25 =	vtrunc.f32 v55;
	v17 =	vadd.f32 v20, v17;
	v32 =	vmul.f32 v22, v26  }
0x71: {  	v22 =	vadd.f32 v22, v62;
	v25 =	vcvt.f32.s32 v25;
	v27 =	vmax.f32 v27, $0.0e+00  }
0x72: {  	v27 =	vmin.f32 v27, $2.550000000e+02;
	v17 =	vmax.f32 v17, $0.0e+00;
	v43 =	vadd.f32 v32, v59  }
0x73: {  	v36 =	vmul.f32 v22, v26;
	v20 =	vadd.f32 v22, v62;
	v22 =	vmax.f32 v45, $0.0e+00  }
0x74: {  	v31 =	vshrl.u32 v25, $0x2;
	v25 =	vshll.u32 v25, $0x3;
	v27 =	vtrunc.f32 v27  }
0x75: {  	v17 =	vmin.f32 v17, $2.550000000e+02;
	v22 =	vmin.f32 v22, $2.550000000e+02;
	v25 =	vand.u32 $0x18, v25  }
0x76: {  	v47 =	vpop (erf);
	v27 =	vcvt.f32.s32 v27;
	v63 =	vadd.s32 v3, v31;
	v31 =	vadd.f32 v40, v59  }
0x77: {  	v17 =	vtrunc.f32 v17;
	v36 =	vadd.f32 v36, v59;
	v13 =	vmul.f32 v47, v13  }
0x78: {  	v34 =	vmul.f32 $1.600000000e+01, v47;
	v20 =	vmul.f32 v20, v26;
	v23 =	vsub.f32 v50, v22  }
0x79: {  	v25 =	vshll.u32 v2, v25;
	v17 =	vcvt.f32.s32 v17;
	v39 =	vshrl.u32 v27, $0x2  }
0x7a: {  	v27 =	vshll.u32 v27, $0x3;
	v31 =	vmax.f32 v31, $0.0e+00;
	v36 =	vmax.f32 v36, $0.0e+00  }
0x7b: {  	v49 =	vadd.f32 v34, v13;
	v20 =	vadd.f32 v20, v59;
	v13 =	vmul.f32 v13, v23  }
0x7c: {  	v27 =	vand.u32 $0x18, v27;
	v41 =	vadd.s32 v4, v39;
	v42 =	vmin.f32 v31, $2.550000000e+02  }
0x7d: {  	v44 =	vshrl.u32 v17, $0x2;
	v17 =	vshll.u32 v17, $0x3;
	v31 =	vmax.f32 v43, $0.0e+00  }
0x7e: {  	v51 =	vmin.f32 v36, $2.550000000e+02;
	v27 =	vshll.u32 v2, v27;
	v29 =	vtrunc.f32 v42  }
0x7f: {  	v17 =	vand.u32 $0x18, v17;
	v31 =	vmin.f32 v31, $2.550000000e+02;
	v32 =	vadd.s32 v5, v44  }
0x80: {  	v52 =	vadd.f32 v49, v34;
	v26 =	vtrunc.f32 v51;
	v20 =	vmax.f32 v20, $0.0e+00  }
0x81: {  	v33 =	vmul.f32 v49, v23;
	v13 =	vadd.f32 v13, v22;
	v29 =	vcvt.f32.s32 v29  }
0x82: {  	v17 =	vshll.u32 v2, v17;
	v31 =	vtrunc.f32 v31;
	v26 =	vcvt.f32.s32 v26  }
0x83: {  	v20 =	vmin.f32 v20, $2.550000000e+02;
	v31 =	vcvt.f32.s32 v31;
	v34 =	vadd.f32 v52, v34  }
0x84: {  	v36 =	vmul.f32 v52, v23;
	v20 =	vtrunc.f32 v20;
	v33 =	vadd.f32 v33, v22  }
0x85: {  	v13 =	vmax.f32 v13, $0.0e+00;
	v35 =	vshrl.u32 v29, $0x2;
	v29 =	vshll.u32 v29, $0x3  }
0x86: {  	v53 =	vshll.u32 v26, $0x3;
	v26 =	vshrl.u32 v26, $0x2;
	v20 =	vcvt.f32.s32 v20  }
0x87: {  	v13 =	vmin.f32 v13, $2.550000000e+02;
	v29 =	vand.u32 $0x18, v29;
	v35 =	vadd.s32 v0, v35  }
0x88: {  	v37 =	vshrl.u32 v31, $0x2;
	v31 =	vshll.u32 v31, $0x3;
	v23 =	vmul.f32 v34, v23  }
0x89: {  	v34 =	vand.u32 $0x18, v53;
	v26 =	vadd.s32 v4, v26;
	v36 =	vadd.f32 v36, v22  }
0x8a: {  	v13 =	vtrunc.f32 v13;
	v55 =	vmax.f32 v33, $0.0e+00;
	v29 =	vshll.u32 v2, v29  }
0x8b: {  	[tilespmem:v11+s9+$0x0] =	vst.idx.add.s32.msk vm0, v10;
	v31 =	vand.u32 $0x18, v31;
	v37 =	vadd.s32 v3, v37;
	v34 =	vshll.u32 v2, v34  }
0x8c: {  	[tilespmem:v14+s9+$0x0] =	vst.idx.add.s32.msk vm2, v12;
	v11 =	vshll.u32 v20, $0x3;
	v54 =	vshrl.u32 v20, $0x2;
	v13 =	vcvt.f32.s32 v13  }
0x8d: {  	[tilespmem:v16+s9+$0x0] =	vst.idx.add.s32.msk vm1, v15;
	v14 =	vmin.f32 v55, $2.550000000e+02;
	v31 =	vshll.u32 v2, v31;
	v10 =	vadd.f32 v23, v22  }
0x8e: {  	[tilespmem:v19+s9+$0x0] =	vst.idx.add.s32.msk vm4, v21;
	v11 =	vand.u32 $0x18, v11;
	v12 =	vadd.s32 v5, v54;
	v56 =	vmax.f32 v36, $0.0e+00  }
0x8f: {  	[tilespmem:v30+s9+$0x0] =	vst.idx.add.s32.msk vm3, v24;
	v14 =	vtrunc.f32 v14;
	v15 =	vmin.f32 v56, $2.550000000e+02;
	v10 =	vmax.f32 v10, $0.0e+00  }
0x90: {  	[tilespmem:v63+s9+$0x0] =	vst.idx.add.s32.msk vm7, v25;
	v14 =	vcvt.f32.s32 v14;
	v15 =	vtrunc.f32 v15;
	v10 =	vmin.f32 v10, $2.550000000e+02  }
0x91: {  	[tilespmem:v41+s9+$0x0] =	vst.idx.add.s32.msk vm5, v27;
	v57 =	vshrl.u32 v13, $0x2;
	v15 =	vcvt.f32.s32 v15;
	v10 =	vtrunc.f32 v10  }
0x92: {  	[tilespmem:v32+s9+$0x0] =	vst.idx.add.s32.msk vm8, v17;
	v16 =	vadd.s32 v0, v57;
	v58 =	vshrl.u32 v14, $0x2;
	v10 =	vcvt.f32.s32 v10  }
0x93: {  	v11 =	vshll.u32 v2, v11;
	[tilespmem:v35+s9+$0x0] =	vst.idx.add.s32.msk vm6, v29;
	v17 =	vadd.s32 v3, v58;
	v59 =	vshrl.u32 v15, $0x2  }
0x94: {  	s19 =	sadd.s32 $0x4, s19;
	v13 =	vshll.u32 v13, $0x3;
	[tilespmem:v37+s9+$0x0] =	vst.idx.add.s32.msk vm10, v31;
	v18 =	vadd.s32 v4, v59;
	v60 =	vshrl.u32 v10, $0x2  }
0x95: {  	p1 =	slt.u32 s19, $0x3C;
	v13 =	vand.u32 $0x18, v13;
	v14 =	vshll.u32 v14, $0x3;
	[tilespmem:v26+s9+$0x0] =	vst.idx.add.s32.msk vm15, v34;
	v19 =	vadd.s32 v5, v60  }
.Ltmp0:
0x96: {  	v61 =	vand.u32 $0x18, v14;
	v62 =	vshll.u32 v15, $0x3;
	[tilespmem:v12+s9+$0x0] =	vst.idx.add.s32.msk vm9, v11;
	v11 =	vshll.u32 v2, v13;
	(pc) =	sbr.rel @p1 .LBB2_3-.Ltmp0, $4  }
0x97: {  	v63 =	vand.u32 $0x18, v62;
	[tilespmem:v16+s9+$0x0] =	vst.idx.add.s32.msk vm13, v11;
	v11 =	vshll.u32 v2, v61;
	v10 =	vshll.u32 v10, $0x3  }
0x98: {  	v10 =	vand.u32 $0x18, v10;
	[tilespmem:v17+s9+$0x0] =	vst.idx.add.s32.msk vm14, v11;
	v11 =	vshll.u32 v2, v63  }
0x99: {  	v10 =	vshll.u32 v2, v10;
	[tilespmem:v18+s9+$0x0] =	vst.idx.add.s32.msk vm11, v11  }
0x9a: {  	s20 =	sadd.s32 $0x40, s20;
	[tilespmem:v19+s9+$0x0] =	vst.idx.add.s32.msk vm12, v10  }
0x9b: {  	s17 =	sshll.u32 s17, $0xE;
	s18 =	sshll.u32 s18, $0xC  }
0x9c: {  	s17 =	sadd.s32 s17, s18  }
0x9d: {  	s17 =	sshrl.u32 s17, $0x3  }
0x9e: {  	s19 =	simm.s32 $0x8;
	s17 =	sadd.s32 s5, s17  }
0x9f: {  	s20 =	simm.s32 $0x1048;
	s18 =	simm.s32 $0x1000;
	s21 =	sadd.s32 $0x0, s17  }
.LBB2_5:
0xa0: {  	[hbm4b:s21+s1] =	stream.linear.scatter [tilespmem:s18], [sflag:$0x1], $0x40, $0x38;
	[tilespmem:$0x3400] =	vst v63  }
0xa1: {  	s21 =	smov.u32 s19;
	s18 =	smov.u32 s20;
	p1 =	sne.s32 s19, $0x1F8  }
.Ltmp1:
0xa2: {  	s19 =	sadd.s32 $0x8, s19;
	(pc) =	sbr.rel @p1 .LBB2_5-.Ltmp1, $2  }
0xa3: {  	_ =	sdelay $0x2  }
0xa4: {  	s20 =	sadd.s32 $0x48, s20;
	s21 =	sadd.s32 s21, s17  }
0xa5: {  	[hbm4b:s21+s1] =	stream.linear.scatter [tilespmem:s18], [sflag:$0x1], $0x40, $0x38;
	[tilespmem:$0x3400] =	vst v63  }
0xa6: {  	s17 =	simm.s32 @!p0 $0x2;
	s16 =	sshll.u32 s16, $0x6  }
0xa7: {  	s29 =	sshll.u32 s15, $0x8;
	_ =	swait.ge @!p0 [sflag:s17], $0x1000;
	s16 =	sor.u32 $0x40, s16  }
0xa8: {  	[sflag:s17] =	ssyncset.done @!p0 $0x0;
	s16 =	ssub.s32 s16, s29  }
0xa9: {  	[sflag:s17] =	ssyncadd.s32 @!p0 $0xFFFFF000;
	s30 =	scvt.s32.f32 s16  }
0xaa: {  	[tilespmem:s11], [sflag:$0x3] =	stream.linear.gather [hbm4b:s4+s1], $0x1200, $0x38;
	[tilespmem:$0x3400] =	vst v63  }
0xab: {  	s31 =	sadd.f32 $1.600000000e+01, s30  }
0xac: {  	s19 =	sadd.f32 $3.200000000e+01, s30  }
0xad: {  	_ =	swait.ge [sflag:s10], $0x1200;
	s20 =	sadd.f32 $4.800000000e+01, s30  }
0xae: {  	v6 =	vadd.f32 s30, v1;
	[sflag:s10] =	ssyncset.done $0x0;
	v7 =	vadd.f32 s31, v1  }
0xaf: {  	s18 =	simm.s32 $0x800;
	s17 =	simm.s32 $0xFFFFFFFC;
	[sflag:s10] =	ssyncadd.s32 $0xFFFFEE00;
	v8 =	vadd.f32 s19, v1;
	v9 =	vadd.f32 s20, v1  }
.LBB2_7:
0xb0: {  	v10 =	vld [tilespmem:s18+$0xFFFFFC00]  }
0xb1: {  	v11 =	vld [tilespmem:s18+$0x400];
	_ =	sdelay $0x4  }
0xb2: {  	v10 =	vmul.f32 $2.550000000e+02, v10;
	v11 =	vmul.f32 $2.550000000e+02, v11;
	_ =	sdelay $0x1  }
0xb3: {  	v13 =	vld [tilespmem:s18+$0xFFFFF800];
	v10 =	vmax.f32 v10, $0.0e+00;
	v11 =	vmax.f32 v11, $0.0e+00  }
0xb4: {  	v18 =	vld [tilespmem:s18+$0x410];
	v10 =	vmin.f32 v10, $2.550000000e+02;
	v11 =	vmin.f32 v11, $2.550000000e+02  }
0xb5: {  	v12 =	vsub.f32 v11, v10  }
0xb6: {  	v22 =	vld [tilespmem:s18+$0x420]  }
0xb7: {  	v34 =	vld [tilespmem:s18+$0x430];
	vm0 =	veq.f32 v12, $0.0e+00  }
0xb8: {  	v13 =	vmul.f32 $2.550000000e+02, v13;
	v12 =	vsel vm0, $0x3F800000, v12  }
0xb9: {  	v18 =	vmul.f32 $2.550000000e+02, v18;
	(erf) = vrcp.f32 v12  }
0xba: {  	v26 =	vld [tilespmem:s18+$0x0];
	v21 =	vimm.s32 $0x0  }
0xbb: {  	v32 =	vld [tilespmem:s18+$0xFFFFFC20];
	v33 =	vmul.f32 $2.550000000e+02, v22;
	v13 =	vmax.f32 v13, $0.0e+00;
	v18 =	vmax.f32 v18, $0.0e+00  }
0xbc: {  	v36 =	vmul.f32 $2.550000000e+02, v34;
	v15 =	vmin.f32 v13, $2.550000000e+02;
	v18 =	vmin.f32 v18, $2.550000000e+02  }
0xbd: {  	v14 =	vsub.f32 v6, v10;
	vm10 =	vlt.f32 v10, v6;
	vm1 =	vlt.f32 v11, v6  }
0xbe: {  	vm11 =	vlt.f32 v10, v7;
	vm2 =	vlt.f32 v11, v7;
	vm3 =	vlt.f32 v10, v8  }
0xbf: {  	vm4 =	vlt.f32 v11, v8;
	vm12 =	vlt.f32 v10, v9;
	v12 =	vmul.f32 $2.550000000e+02, v26  }
0xc0: {  	vm5 =	vlt.f32 v11, v9;
	vm7 =	vlt.f32 v18, v6;
	v11 =	vmul.f32 $2.550000000e+02, v32  }
0xc1: {  	vm15 =	vlt.f32 v18, v7;
	vm9 =	vlt.f32 v18, v8;
	v26 =	vld [tilespmem:s18+$0x10];
	v12 =	vmax.f32 v12, $0.0e+00  }
0xc2: {  	vm2 =	vmxor vm11, vm2;
	v11 =	vmax.f32 v11, $0.0e+00;
	v12 =	vmin.f32 v12, $2.550000000e+02;
	v27 =	vpop (erf)  }
0xc3: {  	vm0 =	vmxor vm10, vm1;
	v16 =	vsub.f32 v12, v15;
	v28 =	vmul.f32 v27, v14  }
0xc4: {  	v30 =	vld [tilespmem:s18+$0xFFFFFC10];
	vm1 =	vmxor vm3, vm4;
	vm4 =	vmxor vm12, vm5;
	v17 =	vmul.f32 $1.600000000e+01, v27  }
0xc5: {  	v35 =	vmin.f32 v11, $2.550000000e+02;
	vm12 =	vlt.f32 v18, v9;
	v14 =	vmul.f32 v28, v16  }
0xc6: {  	v21 =	vsel vm0, $0xFFFFFFFF, v21;
	v41 =	vmul.f32 $2.550000000e+02, v26;
	v12 =	vadd.f32 v17, v28;
	v28 =	vld [tilespmem:s18+$0xFFFFF820]  }
0xc7: {  	vm10 =	vlt.f32 v35, v6;
	v22 =	vsub.f32 v6, v35;
	v14 =	vadd.f32 v14, v15  }
0xc8: {  	v44 =	vmax.f32 v41, $0.0e+00;
	v31 =	vmul.f32 v12, v16;
	v12 =	vadd.f32 v12, v17  }
0xc9: {  	v45 =	vmin.f32 v44, $2.550000000e+02;
	v29 =	vmax.f32 v14, $0.0e+00;
	v14 =	vmul.f32 $2.550000000e+02, v30  }
0xca: {  	v25 =	vmul.f32 v12, v16;
	v17 =	vadd.f32 v12, v17;
	v13 =	vmin.f32 v29, $2.550000000e+02  }
0xcb: {  	v28 =	vmul.f32 $2.550000000e+02, v28;
	v13 =	vtrunc.f32 v13;
	v14 =	vmax.f32 v14, $0.0e+00  }
0xcc: {  	v40 =	vadd.f32 v25, v15;
	v16 =	vmul.f32 v17, v16;
	v19 =	vcvt.f32.s32 v13  }
0xcd: {  	v13 =	vadd.f32 v31, v15;
	v14 =	vmin.f32 v14, $2.550000000e+02;
	v57 =	vmax.f32 v28, $0.0e+00  }
0xce: {  	v23 =	vsub.f32 v18, v14;
	vm6 =	vlt.f32 v14, v6;
	vm14 =	vlt.f32 v14, v7  }
0xcf: {  	vm8 =	vlt.f32 v14, v8;
	vm0 =	vlt.f32 v14, v9;
	v18 =	vmax.f32 v36, $0.0e+00  }
0xd0: {  	v29 =	vld [tilespmem:s18+$0x20];
	v14 =	vsub.f32 v6, v14;
	v15 =	vadd.f32 v16, v15;
	v59 =	vmin.f32 v57, $2.550000000e+02  }
0xd1: {  	v38 =	vld [tilespmem:s18+$0xFFFFF810];
	v20 =	vshll.u32 v19, $0x3;
	v13 =	vmax.f32 v13, $0.0e+00;
	vm3 =	vmxor vm6, vm7  }
0xd2: {  	vm7 =	vmxor vm14, vm15;
	vm5 =	vmxor vm8, vm9;
	vm8 =	vmxor vm0, vm12  }
0xd3: {  	vm14 =	vlt.f32 v35, v7;
	vm9 =	vlt.f32 v35, v8;
	vm12 =	vlt.f32 v35, v9  }
0xd4: {  	v20 =	vand.u32 $0x18, v20;
	v13 =	vmin.f32 v13, $2.550000000e+02;
	vm13 =	veq.f32 v23, $0.0e+00  }
0xd5: {  	v15 =	vmax.f32 v15, $0.0e+00;
	v29 =	vmul.f32 $2.550000000e+02, v29;
	v13 =	vtrunc.f32 v13  }
0xd6: {  	v10 =	vsel vm13, $0x3F800000, v23;
	v23 =	vmul.f32 $2.550000000e+02, v38;
	v15 =	vmin.f32 v15, $2.550000000e+02  }
0xd7: {  	v24 =	vcvt.f32.s32 v13;
	(erf) = vrcp.f32 v10;
	v13 =	vmax.f32 v33, $0.0e+00  }
0xd8: {  	v15 =	vtrunc.f32 v15;
	v58 =	vmax.f32 v29, $0.0e+00;
	v11 =	vmin.f32 v13, $2.550000000e+02  }
0xd9: {  	v43 =	vmax.f32 v23, $0.0e+00;
	v53 =	vcvt.f32.s32 v15;
	v60 =	vmin.f32 v58, $2.550000000e+02  }
0xda: {  	v10 =	vld [tilespmem:s18+$0xFFFFFC30];
	v13 =	vsub.f32 v11, v35;
	vm11 =	vlt.f32 v11, v6;
	vm15 =	vlt.f32 v11, v7  }
0xdb: {  	vm0 =	vlt.f32 v11, v8;
	v39 =	vshll.u32 v24, $0x3;
	v24 =	vshrl.u32 v24, $0x2  }
0xdc: {  	v33 =	vld [tilespmem:s18+$0xFFFFF830];
	v17 =	vmin.f32 v43, $2.550000000e+02;
	vm6 =	vmxor vm10, vm11;
	vm10 =	vmxor vm14, vm15  }
0xdd: {  	vm15 =	vmxor vm9, vm0;
	v47 =	vsub.f32 v45, v17;
	v25 =	vshll.u32 v53, $0x3  }
0xde: {  	v54 =	vshrl.u32 v53, $0x2;
	vm13 =	veq.f32 v13, $0.0e+00;
	v25 =	vand.u32 $0x18, v25  }
0xdf: {  	v10 =	vmul.f32 $2.550000000e+02, v10;
	v37 =	vsel vm13, $0x3F800000, v13;
	vm13 =	vlt.f32 v11, v9  }
0xe0: {  	[tilespmem:$0x1FFE0] =	vst v21;
	v11 =	vshrl.u32 v19, $0x2;
	v19 =	vand.u32 $0x18, v39;
	v21 =	vshll.u32 v2, v25  }
0xe1: {  	v45 =	vmul.f32 $2.550000000e+02, v33;
	vm9 =	vmxor vm12, vm13;
	v10 =	vmax.f32 v10, $0.0e+00  }
0xe2: {  	v11 =	vadd.s32 v0, v11;
	v13 =	vmin.f32 v10, $2.550000000e+02;
	v10 =	vmin.f32 v18, $2.550000000e+02  }
0xe3: {  	v12 =	vshll.u32 v2, v19;
	v18 =	vsub.f32 v10, v13;
	vm11 =	vlt.f32 v13, v6  }
0xe4: {  	vm0 =	vlt.f32 v10, v6;
	vm12 =	vlt.f32 v13, v9;
	v46 =	vpop (erf);
	(erf) = vrcp.f32 v37  }
0xe5: {  	vm13 =	vmxor vm11, vm0;
	vm11 =	vlt.f32 v13, v7;
	vm14 =	veq.f32 v18, $0.0e+00  }
0xe6: {  	v34 =	vld [tilespmem:s18+$0x30];
	vm0 =	vlt.f32 v10, v7;
	v48 =	vmul.f32 v46, v14;
	v18 =	vsel vm14, $0x3F800000, v18  }
0xe7: {  	v38 =	vld [tilespmem:$0x1FFE0];
	vm14 =	vmxor vm11, vm0;
	vm11 =	vlt.f32 v13, v8;
	vm0 =	vlt.f32 v10, v8  }
0xe8: {  	v14 =	vadd.s32 v3, v24;
	v49 =	vmul.f32 v48, v47;
	vm11 =	vmxor vm11, vm0  }
0xe9: {  	vm0 =	vlt.f32 v10, v9;
	v10 =	vshll.u32 v2, v20;
	v20 =	vmax.f32 v40, $0.0e+00  }
0xea: {  	v13 =	vsub.f32 v6, v13;
	v42 =	vmin.f32 v20, $2.550000000e+02;
	v20 =	vmul.f32 $1.600000000e+01, v46  }
0xeb: {  	v24 =	vadd.f32 v49, v17;
	v46 =	vmul.f32 $2.550000000e+02, v34;
	v19 =	vtrunc.f32 v42  }
0xec: {  	vm12 =	vmxor vm12, vm0;
	vm0 =	vnez.u8 v38;
	v19 =	vcvt.f32.s32 v19  }
0xed: {  	v51 =	vadd.f32 v20, v48;
	v24 =	vmax.f32 v24, $0.0e+00;
	v48 =	vmax.f32 v46, $0.0e+00  }
0xee: {  	v24 =	vmin.f32 v24, $2.550000000e+02;
	v50 =	vshll.u32 v19, $0x3;
	v19 =	vshrl.u32 v19, $0x2  }
0xef: {  	v27 =	vmul.f32 v51, v47;
	v24 =	vtrunc.f32 v24;
	v26 =	vadd.f32 v51, v20  }
0xf0: {  	v61 =	vpop (erf);
	(erf) = vrcp.f32 v18;
	v52 =	vand.u32 $0x18, v50;
	v16 =	vadd.s32 v4, v19  }
0xf1: {  	v24 =	vcvt.f32.s32 v24;
	v19 =	vadd.s32 v5, v54;
	v22 =	vmul.f32 v61, v22  }
0xf2: {  	v62 =	vmul.f32 $1.600000000e+01, v61;
	v50 =	vmin.f32 v48, $2.550000000e+02;
	v15 =	vshll.u32 v2, v52  }
0xf3: {  	v27 =	vadd.f32 v27, v17;
	v56 =	vmul.f32 v26, v47;
	v20 =	vadd.f32 v26, v20  }
0xf4: {  	v26 =	vsub.f32 v60, v59;
	v30 =	vshrl.u32 v24, $0x2;
	v24 =	vshll.u32 v24, $0x3  }
0xf5: {  	v27 =	vmax.f32 v27, $0.0e+00;
	v24 =	vand.u32 $0x18, v24;
	v30 =	vadd.s32 v0, v30  }
0xf6: {  	v20 =	vmul.f32 v20, v47;
	v40 =	vmul.f32 v22, v26;
	v22 =	vadd.f32 v62, v22  }
0xf7: {  	v55 =	vmin.f32 v27, $2.550000000e+02;
	v27 =	vadd.f32 v56, v17;
	v24 =	vshll.u32 v2, v24  }
0xf8: {  	v25 =	vtrunc.f32 v55;
	v17 =	vadd.f32 v20, v17;
	v32 =	vmul.f32 v22, v26  }
0xf9: {  	v22 =	vadd.f32 v22, v62;
	v25 =	vcvt.f32.s32 v25;
	v27 =	vmax.f32 v27, $0.0e+00  }
0xfa: {  	v27 =	vmin.f32 v27, $2.550000000e+02;
	v17 =	vmax.f32 v17, $0.0e+00;
	v43 =	vadd.f32 v32, v59  }
0xfb: {  	v36 =	vmul.f32 v22, v26;
	v20 =	vadd.f32 v22, v62;
	v22 =	vmax.f32 v45, $0.0e+00  }
0xfc: {  	v31 =	vshrl.u32 v25, $0x2;
	v25 =	vshll.u32 v25, $0x3;
	v27 =	vtrunc.f32 v27  }
0xfd: {  	v17 =	vmin.f32 v17, $2.550000000e+02;
	v22 =	vmin.f32 v22, $2.550000000e+02;
	v25 =	vand.u32 $0x18, v25  }
0xfe: {  	v47 =	vpop (erf);
	v27 =	vcvt.f32.s32 v27;
	v63 =	vadd.s32 v3, v31;
	v31 =	vadd.f32 v40, v59  }
0xff: {  	v17 =	vtrunc.f32 v17;
	v36 =	vadd.f32 v36, v59;
	v13 =	vmul.f32 v47, v13  }
0x100: {  	v34 =	vmul.f32 $1.600000000e+01, v47;
	v20 =	vmul.f32 v20, v26;
	v23 =	vsub.f32 v50, v22  }
0x101: {  	v25 =	vshll.u32 v2, v25;
	v17 =	vcvt.f32.s32 v17;
	v39 =	vshrl.u32 v27, $0x2  }
0x102: {  	v27 =	vshll.u32 v27, $0x3;
	v31 =	vmax.f32 v31, $0.0e+00;
	v36 =	vmax.f32 v36, $0.0e+00  }
0x103: {  	v49 =	vadd.f32 v34, v13;
	v20 =	vadd.f32 v20, v59;
	v13 =	vmul.f32 v13, v23  }
0x104: {  	v27 =	vand.u32 $0x18, v27;
	v41 =	vadd.s32 v4, v39;
	v42 =	vmin.f32 v31, $2.550000000e+02  }
0x105: {  	v44 =	vshrl.u32 v17, $0x2;
	v17 =	vshll.u32 v17, $0x3;
	v31 =	vmax.f32 v43, $0.0e+00  }
0x106: {  	v51 =	vmin.f32 v36, $2.550000000e+02;
	v27 =	vshll.u32 v2, v27;
	v29 =	vtrunc.f32 v42  }
0x107: {  	v17 =	vand.u32 $0x18, v17;
	v31 =	vmin.f32 v31, $2.550000000e+02;
	v32 =	vadd.s32 v5, v44  }
0x108: {  	v52 =	vadd.f32 v49, v34;
	v26 =	vtrunc.f32 v51;
	v20 =	vmax.f32 v20, $0.0e+00  }
0x109: {  	v33 =	vmul.f32 v49, v23;
	v13 =	vadd.f32 v13, v22;
	v29 =	vcvt.f32.s32 v29  }
0x10a: {  	v17 =	vshll.u32 v2, v17;
	v31 =	vtrunc.f32 v31;
	v26 =	vcvt.f32.s32 v26  }
0x10b: {  	v20 =	vmin.f32 v20, $2.550000000e+02;
	v31 =	vcvt.f32.s32 v31;
	v34 =	vadd.f32 v52, v34  }
0x10c: {  	v36 =	vmul.f32 v52, v23;
	v20 =	vtrunc.f32 v20;
	v33 =	vadd.f32 v33, v22  }
0x10d: {  	v13 =	vmax.f32 v13, $0.0e+00;
	v35 =	vshrl.u32 v29, $0x2;
	v29 =	vshll.u32 v29, $0x3  }
0x10e: {  	v53 =	vshll.u32 v26, $0x3;
	v26 =	vshrl.u32 v26, $0x2;
	v20 =	vcvt.f32.s32 v20  }
0x10f: {  	v13 =	vmin.f32 v13, $2.550000000e+02;
	v29 =	vand.u32 $0x18, v29;
	v35 =	vadd.s32 v0, v35  }
0x110: {  	v37 =	vshrl.u32 v31, $0x2;
	v31 =	vshll.u32 v31, $0x3;
	v23 =	vmul.f32 v34, v23  }
0x111: {  	v34 =	vand.u32 $0x18, v53;
	v26 =	vadd.s32 v4, v26;
	v36 =	vadd.f32 v36, v22  }
0x112: {  	v13 =	vtrunc.f32 v13;
	v55 =	vmax.f32 v33, $0.0e+00;
	v29 =	vshll.u32 v2, v29  }
0x113: {  	[tilespmem:v11+s11+$0x0] =	vst.idx.add.s32.msk vm0, v10;
	v31 =	vand.u32 $0x18, v31;
	v37 =	vadd.s32 v3, v37;
	v34 =	vshll.u32 v2, v34  }
0x114: {  	[tilespmem:v14+s11+$0x0] =	vst.idx.add.s32.msk vm2, v12;
	v11 =	vshll.u32 v20, $0x3;
	v54 =	vshrl.u32 v20, $0x2;
	v13 =	vcvt.f32.s32 v13  }
0x115: {  	[tilespmem:v16+s11+$0x0] =	vst.idx.add.s32.msk vm1, v15;
	v14 =	vmin.f32 v55, $2.550000000e+02;
	v31 =	vshll.u32 v2, v31;
	v10 =	vadd.f32 v23, v22  }
0x116: {  	[tilespmem:v19+s11+$0x0] =	vst.idx.add.s32.msk vm4, v21;
	v11 =	vand.u32 $0x18, v11;
	v12 =	vadd.s32 v5, v54;
	v56 =	vmax.f32 v36, $0.0e+00  }
0x117: {  	[tilespmem:v30+s11+$0x0] =	vst.idx.add.s32.msk vm3, v24;
	v14 =	vtrunc.f32 v14;
	v15 =	vmin.f32 v56, $2.550000000e+02;
	v10 =	vmax.f32 v10, $0.0e+00  }
0x118: {  	[tilespmem:v63+s11+$0x0] =	vst.idx.add.s32.msk vm7, v25;
	v14 =	vcvt.f32.s32 v14;
	v15 =	vtrunc.f32 v15;
	v10 =	vmin.f32 v10, $2.550000000e+02  }
0x119: {  	[tilespmem:v41+s11+$0x0] =	vst.idx.add.s32.msk vm5, v27;
	v57 =	vshrl.u32 v13, $0x2;
	v15 =	vcvt.f32.s32 v15;
	v10 =	vtrunc.f32 v10  }
0x11a: {  	[tilespmem:v32+s11+$0x0] =	vst.idx.add.s32.msk vm8, v17;
	v16 =	vadd.s32 v0, v57;
	v58 =	vshrl.u32 v14, $0x2;
	v10 =	vcvt.f32.s32 v10  }
0x11b: {  	v11 =	vshll.u32 v2, v11;
	[tilespmem:v35+s11+$0x0] =	vst.idx.add.s32.msk vm6, v29;
	v17 =	vadd.s32 v3, v58;
	v59 =	vshrl.u32 v15, $0x2  }
0x11c: {  	s17 =	sadd.s32 $0x4, s17;
	v13 =	vshll.u32 v13, $0x3;
	[tilespmem:v37+s11+$0x0] =	vst.idx.add.s32.msk vm10, v31;
	v18 =	vadd.s32 v4, v59;
	v60 =	vshrl.u32 v10, $0x2  }
0x11d: {  	p0 =	slt.u32 s17, $0x3C;
	v13 =	vand.u32 $0x18, v13;
	v14 =	vshll.u32 v14, $0x3;
	[tilespmem:v26+s11+$0x0] =	vst.idx.add.s32.msk vm15, v34;
	v19 =	vadd.s32 v5, v60  }
.Ltmp2:
0x11e: {  	v61 =	vand.u32 $0x18, v14;
	v62 =	vshll.u32 v15, $0x3;
	[tilespmem:v12+s11+$0x0] =	vst.idx.add.s32.msk vm9, v11;
	v11 =	vshll.u32 v2, v13;
	(pc) =	sbr.rel @p0 .LBB2_7-.Ltmp2, $4  }
0x11f: {  	v63 =	vand.u32 $0x18, v62;
	[tilespmem:v16+s11+$0x0] =	vst.idx.add.s32.msk vm13, v11;
	v11 =	vshll.u32 v2, v61;
	v10 =	vshll.u32 v10, $0x3  }
0x120: {  	v10 =	vand.u32 $0x18, v10;
	[tilespmem:v17+s11+$0x0] =	vst.idx.add.s32.msk vm14, v11;
	v11 =	vshll.u32 v2, v63  }
0x121: {  	v10 =	vshll.u32 v2, v10;
	[tilespmem:v18+s11+$0x0] =	vst.idx.add.s32.msk vm11, v11  }
0x122: {  	s18 =	sadd.s32 $0x40, s18;
	[tilespmem:v19+s11+$0x0] =	vst.idx.add.s32.msk vm12, v10  }
0x123: {  	s15 =	sshll.u32 s15, $0xE;
	s16 =	sshll.u32 s16, $0x6  }
0x124: {  	s15 =	sadd.s32 s15, s16  }
0x125: {  	s15 =	sshrl.u32 s15, $0x3  }
0x126: {  	s17 =	simm.s32 $0x8;
	s15 =	sadd.s32 s5, s15  }
0x127: {  	s18 =	simm.s32 $0x2248;
	s16 =	simm.s32 $0x2200;
	s19 =	sadd.s32 $0x0, s15  }
.LBB2_9:
0x128: {  	[hbm4b:s19+s1] =	stream.linear.scatter [tilespmem:s16], [sflag:$0x2], $0x40, $0x38;
	[tilespmem:$0x3400] =	vst v63  }
0x129: {  	s19 =	smov.u32 s17;
	s16 =	smov.u32 s18;
	p0 =	sne.s32 s17, $0x1F8  }
.Ltmp3:
0x12a: {  	s17 =	sadd.s32 $0x8, s17;
	(pc) =	sbr.rel @p0 .LBB2_9-.Ltmp3, $2  }
0x12b: {  	_ =	sdelay $0x2  }
0x12c: {  	s18 =	sadd.s32 $0x48, s18;
	s19 =	sadd.s32 s19, s15  }
0x12d: {  	s14 =	sadd.s32 $0x1, s14  }
0x12e: {  	p0 =	sne.s32 s14, $0x4  }
.Ltmp4:
0x12f: {  	_ = 	snop;
	(pc) =	sbr.rel @p0 .LBB2_2-.Ltmp4, $2  }
0x130: {  	_ =	sdelay $0x2  }
0x131: {  	[hbm4b:s19+s1] =	stream.linear.scatter [tilespmem:s16], [sflag:$0x2], $0x40, $0x38;
	[tilespmem:$0x3400] =	vst v63  }
0x132: {  	s13 =	sadd.s32 $0x1, s13  }
0x133: {  	_ =	swait.ge [sflag:s8], $0x1000;
	p0 =	sne.s32 s13, s7  }
.Ltmp5:
0x134: {  	[sflag:s8] =	ssyncset.done $0x0;
	(pc) =	sbr.rel @p0 .LBB2_1-.Ltmp5, $4  }
0x135: {  	[sflag:s8] =	ssyncadd.s32 $0xFFFFF000  }
0x136: {  	_ =	swait.ge [sflag:s12], $0x1000  }
0x137: {  	[sflag:s12] =	ssyncset.done $0x0  }
0x138: {  	[sflag:s12] =	ssyncadd.s32 $0xFFFFF000  }
0x139: {  	_ =	sfence.sel $0x180000  }
0x13a: {  	[bflag:$0x0] =	sbarrier.arrive $0xFFFF  }
0x13b: {  	p0 =	sne.s32 s3, $0x0;
	_ =	strace $0x90000047  }
0x13c: {  	s0 =	sadd.s32 @!p0 $0x100000, s0;
	[bflag:$0x2] =	sbarrier.arrive $0xFFFF  }
0x13d: {  	[sflag:s0] =	ssyncadd.tile.s32 @!p0 $0x1;
	_ =	shalt  }
.Lfunc_end2:
_tile_overlayer_lowered:
.L_overlay_start_2:
0x13e: {  	(tag) =	ssettag $0x2  }
0x13f: {  	s0 =	rddreg [dreg:$0x0];
	s2 =	stileid.u32  }
0x140: {  	s1 =	rddreg [dreg:$0x1];
	p0 =	sne.s32 s2, $0x0  }
0x141: {  	s3 =	rddreg [dreg:$0x2];
	[bflag:$0x3] =	sbarrier.arrive $0xFFFF;
	s2 =	simm.s32 @!p0 $0x1C03  }
0x142: {  	[timem:s3], [sflag:s2] =	dma.local @!p0 [hbm:s0], s1  }
0x143: {  	s0 =	simm.s32 @!p0 $0x3  }
0x144: {  	_ =	swait.ge @!p0 [sflag:s0], s1  }
0x145: {  	s1 =	ssub.s32 @!p0 $0x0, s1;
	[sflag:s0] =	ssyncset.done @!p0 $0x0  }
0x146: {  	[sflag:s0] =	ssyncadd.s32 @!p0 s1  }
0x147: {  	[bflag:$0x3] =	sbarrier.arrive $0xFFFF  }
0x148: {  	_ =	shalt  }

</sc_bundles>
